<compile_context>
chip_gen: v7x
topology: tpu7x:2x2x1
jax: 0.10.2.dev20260603
libtpu: 0.0.44.dev20260713+nightly
codegen_flags: <defaults>
</compile_context>

<pallas_src>
import functools

import jax
import jax.numpy as jnp
from jax import lax
from jax.experimental import pallas as pl
from jax.experimental.pallas import tpu as pltpu
from jax.experimental.pallas import tpu_sc as plsc

N_ATOM = 10000
N_BOND = 10000
K = 32
D = 128

NB = 80
NBLK = N_BOND // NB
NCH = NBLK * K

_info = plsc.get_sparse_core_info()
NC, NS = _info.num_cores, _info.num_subcores
NW = NC * NS
BPW = -(-NBLK // NW)
CPW = BPW * K


@functools.partial(
    pl.kernel,
    mesh=plsc.VectorSubcoreMesh(core_axis_name="c", subcore_axis_name="s"),
    out_type=jax.ShapeDtypeStruct((N_BOND, (K + 1) * D), jnp.float32),
    scratch_types=[
        pltpu.VMEM((CPW, NB), jnp.int32),
        pltpu.VMEM((8, NB, D), jnp.float32),
        pltpu.SemaphoreType.DMA,
        pltpu.SemaphoreType.DMA,
        pltpu.SemaphoreType.DMA,
        pltpu.SemaphoreType.DMA,
        pltpu.SemaphoreType.DMA,
        pltpu.SemaphoreType.DMA,
        pltpu.SemaphoreType.DMA,
        pltpu.SemaphoreType.DMA,
        pltpu.SemaphoreType.DMA,
        pltpu.SemaphoreType.DMA,
        pltpu.SemaphoreType.DMA,
        pltpu.SemaphoreType.DMA,
        pltpu.SemaphoreType.DMA,
        pltpu.SemaphoreType.DMA,
        pltpu.SemaphoreType.DMA,
        pltpu.SemaphoreType.DMA,
        pltpu.SemaphoreType.DMA,
    ],
)
def _concat_pool(atom_hbm, bond_hbm, idx_hbm, out_hbm, idx_v, rows_v,
                 g0, g1, g2, g3, g4, g5, g6, g7,
                 s0, s1, s2, s3, s4, s5, s6, s7, bsem):
    wid = lax.axis_index("s") * NC + lax.axis_index("c")
    ch0 = wid * CPW
    blk0 = wid * BPW
    pltpu.sync_copy(idx_hbm.at[pl.ds(ch0, 32)], idx_v.at[pl.ds(0, 32)])

    @pl.when(ch0 + CPW <= NCH)
    def _():
        pltpu.sync_copy(idx_hbm.at[pl.ds(ch0 + 32, CPW - 32)],
                        idx_v.at[pl.ds(32, CPW - 32)])

    def b_copy(i):
        blk = blk0 + i
        r0 = pl.multiple_of(blk * NB, NB)
        return pltpu.make_async_copy(
            bond_hbm.at[pl.ds(r0, NB)],
            out_hbm.at[pl.ds(r0, NB), pl.ds(0, D)], bsem)

    for i in range(BPW):
        @pl.when(blk0 + i < NBLK)
        def _():
            b_copy(i).start()

    gs = (g0, g1, g2, g3, g4, g5, g6, g7)
    ss = (s0, s1, s2, s3, s4, s5, s6, s7)

    def g_copy(j, b):
        return pltpu.make_async_copy(
            atom_hbm.at[idx_v.at[j]], rows_v.at[b], gs[b])

    def s_copy(j, b):
        c = ch0 + j
        blk = c // K
        t = c % K
        r0 = pl.multiple_of(blk * NB, NB)
        c0 = pl.multiple_of((t + 1) * D, D)
        return pltpu.make_async_copy(
            rows_v.at[b], out_hbm.at[pl.ds(r0, NB), pl.ds(c0, D)], ss[b])

    def live(j):
        return (j >= 0) & (j < CPW) & (ch0 + j < NCH)

    def start(j, b):
        @pl.when(live(j))
        def _():
            g_copy(j, b).start()

    def finish(j, b):
        @pl.when(live(j))
        def _():
            g_copy(j, b).wait()
            s_copy(j, b).start()

    def drain(j, b):
        @pl.when(live(j))
        def _():
            s_copy(j, b).wait()

    for b in range(8):
        start(b, b)

    def body(q, carry):
        j = 8 * q
        for b in range(8):
            finish(j + b, b)
        for b in range(8):
            drain(j + b, b)
            start(j + b + 8, b)
        return carry

    lax.fori_loop(0, CPW // 8, body, 0)

    for i in range(BPW):
        @pl.when(blk0 + i < NBLK)
        def _():
            b_copy(i).wait()


def kernel(atom_ft, bond_ft, edge_index):
    src = edge_index[0]
    idx = src.reshape(NBLK, NB, K).transpose(0, 2, 1).reshape(NCH, NB)
    out = _concat_pool(atom_ft, bond_ft, idx)
    return (atom_ft, out)

# --- scband reference (transcript-rebuilt; emitter-appended) ---
"""Pipeline reference for scband-concatenate-pooling-60370060313023 (READ-ONLY COPY).

The authoritative reference and input builder live on the scoring server;
editing this copy changes nothing except your own understanding.
"""

import jax, jax.numpy as jnp
import numpy as np

N_ATOM = 10000
N_BOND = 10000
K = 32          # fixed in-degree per bond (DGL degree-bucketed reduce requires uniform degree for concat)
D = 128         # feature dim


def setup_inputs(seed: int = 0) -> dict:
    key = jax.random.key(seed)
    k1, k2, k3 = jax.random.split(key, 3)
    atom_ft = jax.random.normal(k1, (N_ATOM, D), dtype=jnp.float32)
    bond_ft = jax.random.normal(k2, (N_BOND, D), dtype=jnp.float32)
    # edges of canonical etype ('atom','a2b','bond'); grouped by dst so each bond has exactly K in-edges
    src = jax.random.randint(k3, (N_BOND * K,), 0, N_ATOM, dtype=jnp.int32)
    dst = jnp.repeat(jnp.arange(N_BOND, dtype=jnp.int32), K)
    edge_index = jnp.stack([src, dst], axis=0)
    return {"atom_ft": atom_ft, "bond_ft": bond_ft, "edge_index": edge_index}


def reference(atom_ft, bond_ft, edge_index):
    # ConcatenatePooling over etypes=[('atom','a2b','bond')]:
    # copy_u('ft','m') gathers source-node (atom) features onto each edge; the custom
    # reduce views the mailbox [n_dst, K, D] as [n_dst, K*D] and concatenates it to
    # the dst (bond) features along dim=1. Atom features are returned unchanged.
    src = edge_index[0]
    msgs = jnp.take(atom_ft, src, axis=0)           # [N_BOND*K, D] gather (copy_u)
    msgs = msgs.reshape(N_BOND, K * D)               # mailbox.view(n, -1)
    bond_out = jnp.concatenate([bond_ft, msgs], axis=1)  # [N_BOND, (K+1)*D]
    return (atom_ft, bond_out)

if __name__ == "__main__":
    import jax
    _d = setup_inputs()
    print(jax.jit(kernel)(*tuple(_d.values())))

</pallas_src>

<mosaic_0001>
#map = affine_map<(d0, d1) -> (0, 0)>
module attributes {stable_mosaic.version = 14 : i64} {
  func.func @_concat_pool(%arg0: i32, %arg1: i32, %arg2: memref<10000x128xf32, #tpu.memory_space<hbm>>, %arg3: memref<10000x128xf32, #tpu.memory_space<hbm>>, %arg4: memref<4000x80xi32, #tpu.memory_space<hbm>>, %arg5: memref<10000x4224xf32, #tpu.memory_space<hbm>>, %arg6: memref<128x80xi32, #tpu.memory_space<vmem>>, %arg7: memref<8x80x128xf32, #tpu.memory_space<vmem>>, %arg8: memref<!tpu.dma_semaphore, #tpu.memory_space<semaphore_mem>>, %arg9: memref<!tpu.dma_semaphore, #tpu.memory_space<semaphore_mem>>, %arg10: memref<!tpu.dma_semaphore, #tpu.memory_space<semaphore_mem>>, %arg11: memref<!tpu.dma_semaphore, #tpu.memory_space<semaphore_mem>>, %arg12: memref<!tpu.dma_semaphore, #tpu.memory_space<semaphore_mem>>, %arg13: memref<!tpu.dma_semaphore, #tpu.memory_space<semaphore_mem>>, %arg14: memref<!tpu.dma_semaphore, #tpu.memory_space<semaphore_mem>>, %arg15: memref<!tpu.dma_semaphore, #tpu.memory_space<semaphore_mem>>, %arg16: memref<!tpu.dma_semaphore, #tpu.memory_space<semaphore_mem>>, %arg17: memref<!tpu.dma_semaphore, #tpu.memory_space<semaphore_mem>>, %arg18: memref<!tpu.dma_semaphore, #tpu.memory_space<semaphore_mem>>, %arg19: memref<!tpu.dma_semaphore, #tpu.memory_space<semaphore_mem>>, %arg20: memref<!tpu.dma_semaphore, #tpu.memory_space<semaphore_mem>>, %arg21: memref<!tpu.dma_semaphore, #tpu.memory_space<semaphore_mem>>, %arg22: memref<!tpu.dma_semaphore, #tpu.memory_space<semaphore_mem>>, %arg23: memref<!tpu.dma_semaphore, #tpu.memory_space<semaphore_mem>>, %arg24: memref<!tpu.dma_semaphore, #tpu.memory_space<semaphore_mem>>) attributes {dimension_semantics = [#tpu.dimension_semantics<core_parallel>, #tpu.dimension_semantics<subcore_parallel>], iteration_bounds = array<i64: 2, 16>, scalar_prefetch = 0 : i64, scratch_operands = 19 : i64, tpu.core_type = #tpu.core_type<sc_vector_subcore>, window_params = [{transform_indices = #map}, {transform_indices = #map}, {transform_indices = #map}, {transform_indices = #map}]} {
    %mul3A = arith.constant 2 : i32
    %mul3A_0 = arith.muli %arg1, %mul3A : i32
    %add3A = arith.addi %mul3A_0, %arg0 : i32
    %mul3A_1 = arith.constant 128 : i32
    %mul3A_2 = arith.muli %add3A, %mul3A_1 : i32
    %mul3A_3 = arith.constant 4 : i32
    %mul3A_4 = arith.muli %add3A, %mul3A_3 : i32
    "tpu.region"() ({
      %run_scoped3A = tpu.sem_alloc : memref<!tpu.dma_semaphore, #tpu.memory_space<semaphore_mem>>
      %dma_start3A = arith.constant 0 : i32
      %dma_start3A_140 = arith.constant 0 : i32
      %dma_start3A_141 = tpu.memref_slice %arg6[%dma_start3A, %dma_start3A_140] : memref<128x80xi32, #tpu.memory_space<vmem>> -> memref<32x80xi32, #tpu.memory_space<vmem>>
      %dma_start3A_142 = arith.constant 0 : i32
      %dma_start3A_143 = tpu.memref_slice %arg4[%mul3A_2, %dma_start3A_142] : memref<4000x80xi32, #tpu.memory_space<hbm>> -> memref<32x80xi32, #tpu.memory_space<hbm>>
      %dma_start3A_144 = arith.constant 0 : i32
      %dma_start3A_145 = arith.constant 0 : i32
      %dma_start3A_146 = tpu.memref_slice %arg6[%dma_start3A_144, %dma_start3A_145] : memref<128x80xi32, #tpu.memory_space<vmem>> -> memref<32x80xi32, #tpu.memory_space<vmem>>
      %dma_start3A_147 = arith.constant 0 : i32
      %dma_start3A_148 = tpu.memref_slice %arg4[%mul3A_2, %dma_start3A_147] : memref<4000x80xi32, #tpu.memory_space<hbm>> -> memref<32x80xi32, #tpu.memory_space<hbm>>
      tpu.enqueue_dma source(%dma_start3A_148 : memref<32x80xi32, #tpu.memory_space<hbm>>) target(%dma_start3A_146 : memref<32x80xi32, #tpu.memory_space<vmem>>) target_semaphore(%run_scoped3A : memref<!tpu.dma_semaphore, #tpu.memory_space<semaphore_mem>>)
      %dma_wait3A = arith.constant 0 : i32
      %dma_wait3A_149 = arith.constant 0 : i32
      %dma_wait3A_150 = tpu.memref_slice %arg6[%dma_wait3A, %dma_wait3A_149] : memref<128x80xi32, #tpu.memory_space<vmem>> -> memref<32x80xi32, #tpu.memory_space<vmem>>
      %dma_wait3A_151 = arith.constant 0 : i32
      %dma_wait3A_152 = tpu.memref_slice %arg4[%mul3A_2, %dma_wait3A_151] : memref<4000x80xi32, #tpu.memory_space<hbm>> -> memref<32x80xi32, #tpu.memory_space<hbm>>
      %dma_wait3A_153 = arith.constant 0 : i32
      %dma_wait3A_154 = arith.constant 0 : i32
      %dma_wait3A_155 = tpu.memref_slice %arg6[%dma_wait3A_153, %dma_wait3A_154] : memref<128x80xi32, #tpu.memory_space<vmem>> -> memref<32x80xi32, #tpu.memory_space<vmem>>
      %dma_wait3A_156 = arith.constant 0 : i32
      %dma_wait3A_157 = tpu.memref_slice %arg4[%mul3A_2, %dma_wait3A_156] : memref<4000x80xi32, #tpu.memory_space<hbm>> -> memref<32x80xi32, #tpu.memory_space<hbm>>
      tpu.wait_dma2 semaphore(%run_scoped3A : memref<!tpu.dma_semaphore, #tpu.memory_space<semaphore_mem>>) src(%dma_wait3A_157 : memref<32x80xi32, #tpu.memory_space<hbm>>) dst(%dma_wait3A_155 : memref<32x80xi32, #tpu.memory_space<vmem>>)
      tpu.yield
    }) : () -> ()
    %add3A_5 = arith.constant 128 : i32
    %add3A_6 = arith.addi %mul3A_2, %add3A_5 : i32
    %le3A = arith.constant 4000 : i32
    %le3A_7 = arith.cmpi sle, %add3A_6, %le3A : i32
    %convert_element_type3A = arith.extui %le3A_7 : i1 to i32
    %cond3A = arith.constant 0 : i32
    %cond3A_8 = arith.cmpi ne, %convert_element_type3A, %cond3A : i32
    scf.if %cond3A_8 {
      %add3A_140 = arith.constant 32 : i32
      %add3A_141 = arith.addi %mul3A_2, %add3A_140 : i32
      "tpu.region"() ({
        %run_scoped3A = tpu.sem_alloc : memref<!tpu.dma_semaphore, #tpu.memory_space<semaphore_mem>>
        %dma_start3A = arith.constant 32 : i32
        %dma_start3A_142 = arith.constant 0 : i32
        %dma_start3A_143 = tpu.memref_slice %arg6[%dma_start3A, %dma_start3A_142] : memref<128x80xi32, #tpu.memory_space<vmem>> -> memref<96x80xi32, #tpu.memory_space<vmem>>
        %dma_start3A_144 = arith.constant 0 : i32
        %dma_start3A_145 = tpu.memref_slice %arg4[%add3A_141, %dma_start3A_144] : memref<4000x80xi32, #tpu.memory_space<hbm>> -> memref<96x80xi32, #tpu.memory_space<hbm>>
        %dma_start3A_146 = arith.constant 32 : i32
        %dma_start3A_147 = arith.constant 0 : i32
        %dma_start3A_148 = tpu.memref_slice %arg6[%dma_start3A_146, %dma_start3A_147] : memref<128x80xi32, #tpu.memory_space<vmem>> -> memref<96x80xi32, #tpu.memory_space<vmem>>
        %dma_start3A_149 = arith.constant 0 : i32
        %dma_start3A_150 = tpu.memref_slice %arg4[%add3A_141, %dma_start3A_149] : memref<4000x80xi32, #tpu.memory_space<hbm>> -> memref<96x80xi32, #tpu.memory_space<hbm>>
        tpu.enqueue_dma source(%dma_start3A_150 : memref<96x80xi32, #tpu.memory_space<hbm>>) target(%dma_start3A_148 : memref<96x80xi32, #tpu.memory_space<vmem>>) target_semaphore(%run_scoped3A : memref<!tpu.dma_semaphore, #tpu.memory_space<semaphore_mem>>)
        %dma_wait3A = arith.constant 32 : i32
        %dma_wait3A_151 = arith.constant 0 : i32
        %dma_wait3A_152 = tpu.memref_slice %arg6[%dma_wait3A, %dma_wait3A_151] : memref<128x80xi32, #tpu.memory_space<vmem>> -> memref<96x80xi32, #tpu.memory_space<vmem>>
        %dma_wait3A_153 = arith.constant 0 : i32
        %dma_wait3A_154 = tpu.memref_slice %arg4[%add3A_141, %dma_wait3A_153] : memref<4000x80xi32, #tpu.memory_space<hbm>> -> memref<96x80xi32, #tpu.memory_space<hbm>>
        %dma_wait3A_155 = arith.constant 32 : i32
        %dma_wait3A_156 = arith.constant 0 : i32
        %dma_wait3A_157 = tpu.memref_slice %arg6[%dma_wait3A_155, %dma_wait3A_156] : memref<128x80xi32, #tpu.memory_space<vmem>> -> memref<96x80xi32, #tpu.memory_space<vmem>>
        %dma_wait3A_158 = arith.constant 0 : i32
        %dma_wait3A_159 = tpu.memref_slice %arg4[%add3A_141, %dma_wait3A_158] : memref<4000x80xi32, #tpu.memory_space<hbm>> -> memref<96x80xi32, #tpu.memory_space<hbm>>
        tpu.wait_dma2 semaphore(%run_scoped3A : memref<!tpu.dma_semaphore, #tpu.memory_space<semaphore_mem>>) src(%dma_wait3A_159 : memref<96x80xi32, #tpu.memory_space<hbm>>) dst(%dma_wait3A_157 : memref<96x80xi32, #tpu.memory_space<vmem>>)
        tpu.yield
      }) : () -> ()
    } else {
    }
    %add3A_9 = arith.constant 0 : i32
    %add3A_10 = arith.addi %mul3A_4, %add3A_9 : i32
    %lt3A = arith.constant 125 : i32
    %lt3A_11 = arith.cmpi slt, %add3A_10, %lt3A : i32
    %convert_element_type3A_12 = arith.extui %lt3A_11 : i1 to i32
    %cond3A_13 = arith.constant 0 : i32
    %cond3A_14 = arith.cmpi ne, %convert_element_type3A_12, %cond3A_13 : i32
    scf.if %cond3A_14 {
      %add3A_140 = arith.constant 0 : i32
      %add3A_141 = arith.addi %mul3A_4, %add3A_140 : i32
      %mul3A_142 = arith.constant 80 : i32
      %mul3A_143 = arith.muli %add3A_141, %mul3A_142 : i32
      %multiple_of3A = tpu.assume_multiple %mul3A_143, 80 : i32
      %dma_start3A = arith.constant 0 : i32
      %dma_start3A_144 = tpu.memref_slice %arg5[%multiple_of3A, %dma_start3A] : memref<10000x4224xf32, #tpu.memory_space<hbm>> -> memref<80x128xf32, #tpu.memory_space<hbm>>
      %dma_start3A_145 = arith.constant 0 : i32
      %dma_start3A_146 = tpu.memref_slice %arg3[%multiple_of3A, %dma_start3A_145] : memref<10000x128xf32, #tpu.memory_space<hbm>> -> memref<80x128xf32, #tpu.memory_space<hbm>>
      tpu.enqueue_dma source(%dma_start3A_146 : memref<80x128xf32, #tpu.memory_space<hbm>>) target(%dma_start3A_144 : memref<80x128xf32, #tpu.memory_space<hbm>>) target_semaphore(%arg24 : memref<!tpu.dma_semaphore, #tpu.memory_space<semaphore_mem>>)
    } else {
    }
    %add3A_15 = arith.constant 1 : i32
    %add3A_16 = arith.addi %mul3A_4, %add3A_15 : i32
    %lt3A_17 = arith.constant 125 : i32
    %lt3A_18 = arith.cmpi slt, %add3A_16, %lt3A_17 : i32
    %convert_element_type3A_19 = arith.extui %lt3A_18 : i1 to i32
    %cond3A_20 = arith.constant 0 : i32
    %cond3A_21 = arith.cmpi ne, %convert_element_type3A_19, %cond3A_20 : i32
    scf.if %cond3A_21 {
      %add3A_140 = arith.constant 1 : i32
      %add3A_141 = arith.addi %mul3A_4, %add3A_140 : i32
      %mul3A_142 = arith.constant 80 : i32
      %mul3A_143 = arith.muli %add3A_141, %mul3A_142 : i32
      %multiple_of3A = tpu.assume_multiple %mul3A_143, 80 : i32
      %dma_start3A = arith.constant 0 : i32
      %dma_start3A_144 = tpu.memref_slice %arg5[%multiple_of3A, %dma_start3A] : memref<10000x4224xf32, #tpu.memory_space<hbm>> -> memref<80x128xf32, #tpu.memory_space<hbm>>
      %dma_start3A_145 = arith.constant 0 : i32
      %dma_start3A_146 = tpu.memref_slice %arg3[%multiple_of3A, %dma_start3A_145] : memref<10000x128xf32, #tpu.memory_space<hbm>> -> memref<80x128xf32, #tpu.memory_space<hbm>>
      tpu.enqueue_dma source(%dma_start3A_146 : memref<80x128xf32, #tpu.memory_space<hbm>>) target(%dma_start3A_144 : memref<80x128xf32, #tpu.memory_space<hbm>>) target_semaphore(%arg24 : memref<!tpu.dma_semaphore, #tpu.memory_space<semaphore_mem>>)
    } else {
    }
    %add3A_22 = arith.constant 2 : i32
    %add3A_23 = arith.addi %mul3A_4, %add3A_22 : i32
    %lt3A_24 = arith.constant 125 : i32
    %lt3A_25 = arith.cmpi slt, %add3A_23, %lt3A_24 : i32
    %convert_element_type3A_26 = arith.extui %lt3A_25 : i1 to i32
    %cond3A_27 = arith.constant 0 : i32
    %cond3A_28 = arith.cmpi ne, %convert_element_type3A_26, %cond3A_27 : i32
    scf.if %cond3A_28 {
      %add3A_140 = arith.constant 2 : i32
      %add3A_141 = arith.addi %mul3A_4, %add3A_140 : i32
      %mul3A_142 = arith.constant 80 : i32
      %mul3A_143 = arith.muli %add3A_141, %mul3A_142 : i32
      %multiple_of3A = tpu.assume_multiple %mul3A_143, 80 : i32
      %dma_start3A = arith.constant 0 : i32
      %dma_start3A_144 = tpu.memref_slice %arg5[%multiple_of3A, %dma_start3A] : memref<10000x4224xf32, #tpu.memory_space<hbm>> -> memref<80x128xf32, #tpu.memory_space<hbm>>
      %dma_start3A_145 = arith.constant 0 : i32
      %dma_start3A_146 = tpu.memref_slice %arg3[%multiple_of3A, %dma_start3A_145] : memref<10000x128xf32, #tpu.memory_space<hbm>> -> memref<80x128xf32, #tpu.memory_space<hbm>>
      tpu.enqueue_dma source(%dma_start3A_146 : memref<80x128xf32, #tpu.memory_space<hbm>>) target(%dma_start3A_144 : memref<80x128xf32, #tpu.memory_space<hbm>>) target_semaphore(%arg24 : memref<!tpu.dma_semaphore, #tpu.memory_space<semaphore_mem>>)
    } else {
    }
    %add3A_29 = arith.constant 3 : i32
    %add3A_30 = arith.addi %mul3A_4, %add3A_29 : i32
    %lt3A_31 = arith.constant 125 : i32
    %lt3A_32 = arith.cmpi slt, %add3A_30, %lt3A_31 : i32
    %convert_element_type3A_33 = arith.extui %lt3A_32 : i1 to i32
    %cond3A_34 = arith.constant 0 : i32
    %cond3A_35 = arith.cmpi ne, %convert_element_type3A_33, %cond3A_34 : i32
    scf.if %cond3A_35 {
      %add3A_140 = arith.constant 3 : i32
      %add3A_141 = arith.addi %mul3A_4, %add3A_140 : i32
      %mul3A_142 = arith.constant 80 : i32
      %mul3A_143 = arith.muli %add3A_141, %mul3A_142 : i32
      %multiple_of3A = tpu.assume_multiple %mul3A_143, 80 : i32
      %dma_start3A = arith.constant 0 : i32
      %dma_start3A_144 = tpu.memref_slice %arg5[%multiple_of3A, %dma_start3A] : memref<10000x4224xf32, #tpu.memory_space<hbm>> -> memref<80x128xf32, #tpu.memory_space<hbm>>
      %dma_start3A_145 = arith.constant 0 : i32
      %dma_start3A_146 = tpu.memref_slice %arg3[%multiple_of3A, %dma_start3A_145] : memref<10000x128xf32, #tpu.memory_space<hbm>> -> memref<80x128xf32, #tpu.memory_space<hbm>>
      tpu.enqueue_dma source(%dma_start3A_146 : memref<80x128xf32, #tpu.memory_space<hbm>>) target(%dma_start3A_144 : memref<80x128xf32, #tpu.memory_space<hbm>>) target_semaphore(%arg24 : memref<!tpu.dma_semaphore, #tpu.memory_space<semaphore_mem>>)
    } else {
    }
    %add3A_36 = arith.constant 0 : i32
    %add3A_37 = arith.addi %mul3A_2, %add3A_36 : i32
    %lt3A_38 = arith.constant 4000 : i32
    %lt3A_39 = arith.cmpi slt, %add3A_37, %lt3A_38 : i32
    %and3A = arith.constant true
    %and3A_40 = arith.andi %and3A, %lt3A_39 : i1
    %convert_element_type3A_41 = arith.extui %and3A_40 : i1 to i32
    %cond3A_42 = arith.constant 0 : i32
    %cond3A_43 = arith.cmpi ne, %convert_element_type3A_41, %cond3A_42 : i32
    scf.if %cond3A_43 {
      %dma_start3A = arith.constant 0 : i32
      %dma_start3A_140 = arith.constant 0 : i32
      %dma_start3A_141 = arith.constant 0 : i32
      %dma_start3A_142 = arith.constant 0 : i32
      %dma_start3A_143 = tpu.memref_slice %arg7[%dma_start3A_140, %dma_start3A_141, %dma_start3A_142] : memref<8x80x128xf32, #tpu.memory_space<vmem>> -> memref<1x80x128xf32, #tpu.memory_space<vmem>>
      %dma_start3A_144 = tpu.memref_squeeze %dma_start3A_143 : memref<1x80x128xf32, #tpu.memory_space<vmem>> -> memref<80x128xf32, #tpu.memory_space<vmem>>
      %dma_start3A_145 = arith.constant 0 : i32
      %dma_start3A_146 = tpu.memref_slice %arg6[%dma_start3A, %dma_start3A_145] : memref<128x80xi32, #tpu.memory_space<vmem>> -> memref<1x80xi32, #tpu.memory_space<vmem>>
      %dma_start3A_147 = tpu.memref_squeeze %dma_start3A_146 : memref<1x80xi32, #tpu.memory_space<vmem>> -> memref<80xi32, #tpu.memory_space<vmem>>
      %dma_start3A_148 = arith.constant 0 : i32
      %dma_start3A_149 = arith.constant 0 : i32
      %dma_start3A_150 = tpu.memref_slice %arg2[%dma_start3A_148, %dma_start3A_149] : memref<10000x128xf32, #tpu.memory_space<hbm>> -> memref<10000x128xf32, #tpu.memory_space<hbm>>
      tpu.enqueue_indirect_dma source(%dma_start3A_150 : memref<10000x128xf32, #tpu.memory_space<hbm>>) target(%dma_start3A_144 : memref<80x128xf32, #tpu.memory_space<vmem>>) offsets(%dma_start3A_147 : memref<80xi32, #tpu.memory_space<vmem>>) semaphore(%arg8 : memref<!tpu.dma_semaphore, #tpu.memory_space<semaphore_mem>>)
    } else {
    }
    %add3A_44 = arith.constant 1 : i32
    %add3A_45 = arith.addi %mul3A_2, %add3A_44 : i32
    %lt3A_46 = arith.constant 4000 : i32
    %lt3A_47 = arith.cmpi slt, %add3A_45, %lt3A_46 : i32
    %and3A_48 = arith.constant true
    %and3A_49 = arith.andi %and3A_48, %lt3A_47 : i1
    %convert_element_type3A_50 = arith.extui %and3A_49 : i1 to i32
    %cond3A_51 = arith.constant 0 : i32
    %cond3A_52 = arith.cmpi ne, %convert_element_type3A_50, %cond3A_51 : i32
    scf.if %cond3A_52 {
      %dma_start3A = arith.constant 1 : i32
      %dma_start3A_140 = arith.constant 1 : i32
      %dma_start3A_141 = arith.constant 0 : i32
      %dma_start3A_142 = arith.constant 0 : i32
      %dma_start3A_143 = tpu.memref_slice %arg7[%dma_start3A_140, %dma_start3A_141, %dma_start3A_142] : memref<8x80x128xf32, #tpu.memory_space<vmem>> -> memref<1x80x128xf32, #tpu.memory_space<vmem>>
      %dma_start3A_144 = tpu.memref_squeeze %dma_start3A_143 : memref<1x80x128xf32, #tpu.memory_space<vmem>> -> memref<80x128xf32, #tpu.memory_space<vmem>>
      %dma_start3A_145 = arith.constant 0 : i32
      %dma_start3A_146 = tpu.memref_slice %arg6[%dma_start3A, %dma_start3A_145] : memref<128x80xi32, #tpu.memory_space<vmem>> -> memref<1x80xi32, #tpu.memory_space<vmem>>
      %dma_start3A_147 = tpu.memref_squeeze %dma_start3A_146 : memref<1x80xi32, #tpu.memory_space<vmem>> -> memref<80xi32, #tpu.memory_space<vmem>>
      %dma_start3A_148 = arith.constant 0 : i32
      %dma_start3A_149 = arith.constant 0 : i32
      %dma_start3A_150 = tpu.memref_slice %arg2[%dma_start3A_148, %dma_start3A_149] : memref<10000x128xf32, #tpu.memory_space<hbm>> -> memref<10000x128xf32, #tpu.memory_space<hbm>>
      tpu.enqueue_indirect_dma source(%dma_start3A_150 : memref<10000x128xf32, #tpu.memory_space<hbm>>) target(%dma_start3A_144 : memref<80x128xf32, #tpu.memory_space<vmem>>) offsets(%dma_start3A_147 : memref<80xi32, #tpu.memory_space<vmem>>) semaphore(%arg9 : memref<!tpu.dma_semaphore, #tpu.memory_space<semaphore_mem>>)
    } else {
    }
    %add3A_53 = arith.constant 2 : i32
    %add3A_54 = arith.addi %mul3A_2, %add3A_53 : i32
    %lt3A_55 = arith.constant 4000 : i32
    %lt3A_56 = arith.cmpi slt, %add3A_54, %lt3A_55 : i32
    %and3A_57 = arith.constant true
    %and3A_58 = arith.andi %and3A_57, %lt3A_56 : i1
    %convert_element_type3A_59 = arith.extui %and3A_58 : i1 to i32
    %cond3A_60 = arith.constant 0 : i32
    %cond3A_61 = arith.cmpi ne, %convert_element_type3A_59, %cond3A_60 : i32
    scf.if %cond3A_61 {
      %dma_start3A = arith.constant 2 : i32
      %dma_start3A_140 = arith.constant 2 : i32
      %dma_start3A_141 = arith.constant 0 : i32
      %dma_start3A_142 = arith.constant 0 : i32
      %dma_start3A_143 = tpu.memref_slice %arg7[%dma_start3A_140, %dma_start3A_141, %dma_start3A_142] : memref<8x80x128xf32, #tpu.memory_space<vmem>> -> memref<1x80x128xf32, #tpu.memory_space<vmem>>
      %dma_start3A_144 = tpu.memref_squeeze %dma_start3A_143 : memref<1x80x128xf32, #tpu.memory_space<vmem>> -> memref<80x128xf32, #tpu.memory_space<vmem>>
      %dma_start3A_145 = arith.constant 0 : i32
      %dma_start3A_146 = tpu.memref_slice %arg6[%dma_start3A, %dma_start3A_145] : memref<128x80xi32, #tpu.memory_space<vmem>> -> memref<1x80xi32, #tpu.memory_space<vmem>>
      %dma_start3A_147 = tpu.memref_squeeze %dma_start3A_146 : memref<1x80xi32, #tpu.memory_space<vmem>> -> memref<80xi32, #tpu.memory_space<vmem>>
      %dma_start3A_148 = arith.constant 0 : i32
      %dma_start3A_149 = arith.constant 0 : i32
      %dma_start3A_150 = tpu.memref_slice %arg2[%dma_start3A_148, %dma_start3A_149] : memref<10000x128xf32, #tpu.memory_space<hbm>> -> memref<10000x128xf32, #tpu.memory_space<hbm>>
      tpu.enqueue_indirect_dma source(%dma_start3A_150 : memref<10000x128xf32, #tpu.memory_space<hbm>>) target(%dma_start3A_144 : memref<80x128xf32, #tpu.memory_space<vmem>>) offsets(%dma_start3A_147 : memref<80xi32, #tpu.memory_space<vmem>>) semaphore(%arg10 : memref<!tpu.dma_semaphore, #tpu.memory_space<semaphore_mem>>)
    } else {
    }
    %add3A_62 = arith.constant 3 : i32
    %add3A_63 = arith.addi %mul3A_2, %add3A_62 : i32
    %lt3A_64 = arith.constant 4000 : i32
    %lt3A_65 = arith.cmpi slt, %add3A_63, %lt3A_64 : i32
    %and3A_66 = arith.constant true
    %and3A_67 = arith.andi %and3A_66, %lt3A_65 : i1
    %convert_element_type3A_68 = arith.extui %and3A_67 : i1 to i32
    %cond3A_69 = arith.constant 0 : i32
    %cond3A_70 = arith.cmpi ne, %convert_element_type3A_68, %cond3A_69 : i32
    scf.if %cond3A_70 {
      %dma_start3A = arith.constant 3 : i32
      %dma_start3A_140 = arith.constant 3 : i32
      %dma_start3A_141 = arith.constant 0 : i32
      %dma_start3A_142 = arith.constant 0 : i32
      %dma_start3A_143 = tpu.memref_slice %arg7[%dma_start3A_140, %dma_start3A_141, %dma_start3A_142] : memref<8x80x128xf32, #tpu.memory_space<vmem>> -> memref<1x80x128xf32, #tpu.memory_space<vmem>>
      %dma_start3A_144 = tpu.memref_squeeze %dma_start3A_143 : memref<1x80x128xf32, #tpu.memory_space<vmem>> -> memref<80x128xf32, #tpu.memory_space<vmem>>
      %dma_start3A_145 = arith.constant 0 : i32
      %dma_start3A_146 = tpu.memref_slice %arg6[%dma_start3A, %dma_start3A_145] : memref<128x80xi32, #tpu.memory_space<vmem>> -> memref<1x80xi32, #tpu.memory_space<vmem>>
      %dma_start3A_147 = tpu.memref_squeeze %dma_start3A_146 : memref<1x80xi32, #tpu.memory_space<vmem>> -> memref<80xi32, #tpu.memory_space<vmem>>
      %dma_start3A_148 = arith.constant 0 : i32
      %dma_start3A_149 = arith.constant 0 : i32
      %dma_start3A_150 = tpu.memref_slice %arg2[%dma_start3A_148, %dma_start3A_149] : memref<10000x128xf32, #tpu.memory_space<hbm>> -> memref<10000x128xf32, #tpu.memory_space<hbm>>
      tpu.enqueue_indirect_dma source(%dma_start3A_150 : memref<10000x128xf32, #tpu.memory_space<hbm>>) target(%dma_start3A_144 : memref<80x128xf32, #tpu.memory_space<vmem>>) offsets(%dma_start3A_147 : memref<80xi32, #tpu.memory_space<vmem>>) semaphore(%arg11 : memref<!tpu.dma_semaphore, #tpu.memory_space<semaphore_mem>>)
    } else {
    }
    %add3A_71 = arith.constant 4 : i32
    %add3A_72 = arith.addi %mul3A_2, %add3A_71 : i32
    %lt3A_73 = arith.constant 4000 : i32
    %lt3A_74 = arith.cmpi slt, %add3A_72, %lt3A_73 : i32
    %and3A_75 = arith.constant true
    %and3A_76 = arith.andi %and3A_75, %lt3A_74 : i1
    %convert_element_type3A_77 = arith.extui %and3A_76 : i1 to i32
    %cond3A_78 = arith.constant 0 : i32
    %cond3A_79 = arith.cmpi ne, %convert_element_type3A_77, %cond3A_78 : i32
    scf.if %cond3A_79 {
      %dma_start3A = arith.constant 4 : i32
      %dma_start3A_140 = arith.constant 4 : i32
      %dma_start3A_141 = arith.constant 0 : i32
      %dma_start3A_142 = arith.constant 0 : i32
      %dma_start3A_143 = tpu.memref_slice %arg7[%dma_start3A_140, %dma_start3A_141, %dma_start3A_142] : memref<8x80x128xf32, #tpu.memory_space<vmem>> -> memref<1x80x128xf32, #tpu.memory_space<vmem>>
      %dma_start3A_144 = tpu.memref_squeeze %dma_start3A_143 : memref<1x80x128xf32, #tpu.memory_space<vmem>> -> memref<80x128xf32, #tpu.memory_space<vmem>>
      %dma_start3A_145 = arith.constant 0 : i32
      %dma_start3A_146 = tpu.memref_slice %arg6[%dma_start3A, %dma_start3A_145] : memref<128x80xi32, #tpu.memory_space<vmem>> -> memref<1x80xi32, #tpu.memory_space<vmem>>
      %dma_start3A_147 = tpu.memref_squeeze %dma_start3A_146 : memref<1x80xi32, #tpu.memory_space<vmem>> -> memref<80xi32, #tpu.memory_space<vmem>>
      %dma_start3A_148 = arith.constant 0 : i32
      %dma_start3A_149 = arith.constant 0 : i32
      %dma_start3A_150 = tpu.memref_slice %arg2[%dma_start3A_148, %dma_start3A_149] : memref<10000x128xf32, #tpu.memory_space<hbm>> -> memref<10000x128xf32, #tpu.memory_space<hbm>>
      tpu.enqueue_indirect_dma source(%dma_start3A_150 : memref<10000x128xf32, #tpu.memory_space<hbm>>) target(%dma_start3A_144 : memref<80x128xf32, #tpu.memory_space<vmem>>) offsets(%dma_start3A_147 : memref<80xi32, #tpu.memory_space<vmem>>) semaphore(%arg12 : memref<!tpu.dma_semaphore, #tpu.memory_space<semaphore_mem>>)
    } else {
    }
    %add3A_80 = arith.constant 5 : i32
    %add3A_81 = arith.addi %mul3A_2, %add3A_80 : i32
    %lt3A_82 = arith.constant 4000 : i32
    %lt3A_83 = arith.cmpi slt, %add3A_81, %lt3A_82 : i32
    %and3A_84 = arith.constant true
    %and3A_85 = arith.andi %and3A_84, %lt3A_83 : i1
    %convert_element_type3A_86 = arith.extui %and3A_85 : i1 to i32
    %cond3A_87 = arith.constant 0 : i32
    %cond3A_88 = arith.cmpi ne, %convert_element_type3A_86, %cond3A_87 : i32
    scf.if %cond3A_88 {
      %dma_start3A = arith.constant 5 : i32
      %dma_start3A_140 = arith.constant 5 : i32
      %dma_start3A_141 = arith.constant 0 : i32
      %dma_start3A_142 = arith.constant 0 : i32
      %dma_start3A_143 = tpu.memref_slice %arg7[%dma_start3A_140, %dma_start3A_141, %dma_start3A_142] : memref<8x80x128xf32, #tpu.memory_space<vmem>> -> memref<1x80x128xf32, #tpu.memory_space<vmem>>
      %dma_start3A_144 = tpu.memref_squeeze %dma_start3A_143 : memref<1x80x128xf32, #tpu.memory_space<vmem>> -> memref<80x128xf32, #tpu.memory_space<vmem>>
      %dma_start3A_145 = arith.constant 0 : i32
      %dma_start3A_146 = tpu.memref_slice %arg6[%dma_start3A, %dma_start3A_145] : memref<128x80xi32, #tpu.memory_space<vmem>> -> memref<1x80xi32, #tpu.memory_space<vmem>>
      %dma_start3A_147 = tpu.memref_squeeze %dma_start3A_146 : memref<1x80xi32, #tpu.memory_space<vmem>> -> memref<80xi32, #tpu.memory_space<vmem>>
      %dma_start3A_148 = arith.constant 0 : i32
      %dma_start3A_149 = arith.constant 0 : i32
      %dma_start3A_150 = tpu.memref_slice %arg2[%dma_start3A_148, %dma_start3A_149] : memref<10000x128xf32, #tpu.memory_space<hbm>> -> memref<10000x128xf32, #tpu.memory_space<hbm>>
      tpu.enqueue_indirect_dma source(%dma_start3A_150 : memref<10000x128xf32, #tpu.memory_space<hbm>>) target(%dma_start3A_144 : memref<80x128xf32, #tpu.memory_space<vmem>>) offsets(%dma_start3A_147 : memref<80xi32, #tpu.memory_space<vmem>>) semaphore(%arg13 : memref<!tpu.dma_semaphore, #tpu.memory_space<semaphore_mem>>)
    } else {
    }
    %add3A_89 = arith.constant 6 : i32
    %add3A_90 = arith.addi %mul3A_2, %add3A_89 : i32
    %lt3A_91 = arith.constant 4000 : i32
    %lt3A_92 = arith.cmpi slt, %add3A_90, %lt3A_91 : i32
    %and3A_93 = arith.constant true
    %and3A_94 = arith.andi %and3A_93, %lt3A_92 : i1
    %convert_element_type3A_95 = arith.extui %and3A_94 : i1 to i32
    %cond3A_96 = arith.constant 0 : i32
    %cond3A_97 = arith.cmpi ne, %convert_element_type3A_95, %cond3A_96 : i32
    scf.if %cond3A_97 {
      %dma_start3A = arith.constant 6 : i32
      %dma_start3A_140 = arith.constant 6 : i32
      %dma_start3A_141 = arith.constant 0 : i32
      %dma_start3A_142 = arith.constant 0 : i32
      %dma_start3A_143 = tpu.memref_slice %arg7[%dma_start3A_140, %dma_start3A_141, %dma_start3A_142] : memref<8x80x128xf32, #tpu.memory_space<vmem>> -> memref<1x80x128xf32, #tpu.memory_space<vmem>>
      %dma_start3A_144 = tpu.memref_squeeze %dma_start3A_143 : memref<1x80x128xf32, #tpu.memory_space<vmem>> -> memref<80x128xf32, #tpu.memory_space<vmem>>
      %dma_start3A_145 = arith.constant 0 : i32
      %dma_start3A_146 = tpu.memref_slice %arg6[%dma_start3A, %dma_start3A_145] : memref<128x80xi32, #tpu.memory_space<vmem>> -> memref<1x80xi32, #tpu.memory_space<vmem>>
      %dma_start3A_147 = tpu.memref_squeeze %dma_start3A_146 : memref<1x80xi32, #tpu.memory_space<vmem>> -> memref<80xi32, #tpu.memory_space<vmem>>
      %dma_start3A_148 = arith.constant 0 : i32
      %dma_start3A_149 = arith.constant 0 : i32
      %dma_start3A_150 = tpu.memref_slice %arg2[%dma_start3A_148, %dma_start3A_149] : memref<10000x128xf32, #tpu.memory_space<hbm>> -> memref<10000x128xf32, #tpu.memory_space<hbm>>
      tpu.enqueue_indirect_dma source(%dma_start3A_150 : memref<10000x128xf32, #tpu.memory_space<hbm>>) target(%dma_start3A_144 : memref<80x128xf32, #tpu.memory_space<vmem>>) offsets(%dma_start3A_147 : memref<80xi32, #tpu.memory_space<vmem>>) semaphore(%arg14 : memref<!tpu.dma_semaphore, #tpu.memory_space<semaphore_mem>>)
    } else {
    }
    %add3A_98 = arith.constant 7 : i32
    %add3A_99 = arith.addi %mul3A_2, %add3A_98 : i32
    %lt3A_100 = arith.constant 4000 : i32
    %lt3A_101 = arith.cmpi slt, %add3A_99, %lt3A_100 : i32
    %and3A_102 = arith.constant true
    %and3A_103 = arith.andi %and3A_102, %lt3A_101 : i1
    %convert_element_type3A_104 = arith.extui %and3A_103 : i1 to i32
    %cond3A_105 = arith.constant 0 : i32
    %cond3A_106 = arith.cmpi ne, %convert_element_type3A_104, %cond3A_105 : i32
    scf.if %cond3A_106 {
      %dma_start3A = arith.constant 7 : i32
      %dma_start3A_140 = arith.constant 7 : i32
      %dma_start3A_141 = arith.constant 0 : i32
      %dma_start3A_142 = arith.constant 0 : i32
      %dma_start3A_143 = tpu.memref_slice %arg7[%dma_start3A_140, %dma_start3A_141, %dma_start3A_142] : memref<8x80x128xf32, #tpu.memory_space<vmem>> -> memref<1x80x128xf32, #tpu.memory_space<vmem>>
      %dma_start3A_144 = tpu.memref_squeeze %dma_start3A_143 : memref<1x80x128xf32, #tpu.memory_space<vmem>> -> memref<80x128xf32, #tpu.memory_space<vmem>>
      %dma_start3A_145 = arith.constant 0 : i32
      %dma_start3A_146 = tpu.memref_slice %arg6[%dma_start3A, %dma_start3A_145] : memref<128x80xi32, #tpu.memory_space<vmem>> -> memref<1x80xi32, #tpu.memory_space<vmem>>
      %dma_start3A_147 = tpu.memref_squeeze %dma_start3A_146 : memref<1x80xi32, #tpu.memory_space<vmem>> -> memref<80xi32, #tpu.memory_space<vmem>>
      %dma_start3A_148 = arith.constant 0 : i32
      %dma_start3A_149 = arith.constant 0 : i32
      %dma_start3A_150 = tpu.memref_slice %arg2[%dma_start3A_148, %dma_start3A_149] : memref<10000x128xf32, #tpu.memory_space<hbm>> -> memref<10000x128xf32, #tpu.memory_space<hbm>>
      tpu.enqueue_indirect_dma source(%dma_start3A_150 : memref<10000x128xf32, #tpu.memory_space<hbm>>) target(%dma_start3A_144 : memref<80x128xf32, #tpu.memory_space<vmem>>) offsets(%dma_start3A_147 : memref<80xi32, #tpu.memory_space<vmem>>) semaphore(%arg15 : memref<!tpu.dma_semaphore, #tpu.memory_space<semaphore_mem>>)
    } else {
    }
    %scan3A = arith.constant 0 : i32
    %scan3A_107 = arith.constant 0 : i32
    %scan3A_108 = arith.constant 16 : i32
    %scan3A_109 = arith.addi %scan3A_107, %scan3A_108 : i32
    %scan3A_110 = arith.constant 1 : i32
    scf.for %scan3A_140 = %scan3A_107 to %scan3A_109 step %scan3A_110  : i32 {
      %mul3A_141 = arith.constant 8 : i32
      %mul3A_142 = arith.muli %mul3A_141, %scan3A_140 : i32
      %add3A_143 = arith.constant 0 : i32
      %add3A_144 = arith.addi %mul3A_142, %add3A_143 : i32
      %ge3A = arith.constant 0 : i32
      %ge3A_145 = arith.cmpi sge, %add3A_144, %ge3A : i32
      %lt3A_146 = arith.constant 128 : i32
      %lt3A_147 = arith.cmpi slt, %add3A_144, %lt3A_146 : i32
      %and3A_148 = arith.andi %ge3A_145, %lt3A_147 : i1
      %add3A_149 = arith.addi %mul3A_2, %add3A_144 : i32
      %lt3A_150 = arith.constant 4000 : i32
      %lt3A_151 = arith.cmpi slt, %add3A_149, %lt3A_150 : i32
      %and3A_152 = arith.andi %and3A_148, %lt3A_151 : i1
      %convert_element_type3A_153 = arith.extui %and3A_152 : i1 to i32
      %cond3A_154 = arith.constant 0 : i32
      %cond3A_155 = arith.cmpi ne, %convert_element_type3A_153, %cond3A_154 : i32
      scf.if %cond3A_155 {
        %dma_wait3A = arith.constant 0 : i32
        %dma_wait3A_494 = arith.constant 0 : i32
        %dma_wait3A_495 = arith.constant 0 : i32
        %dma_wait3A_496 = tpu.memref_slice %arg7[%dma_wait3A, %dma_wait3A_494, %dma_wait3A_495] : memref<8x80x128xf32, #tpu.memory_space<vmem>> -> memref<1x80x128xf32, #tpu.memory_space<vmem>>
        %dma_wait3A_497 = tpu.memref_squeeze %dma_wait3A_496 : memref<1x80x128xf32, #tpu.memory_space<vmem>> -> memref<80x128xf32, #tpu.memory_space<vmem>>
        %dma_wait3A_498 = arith.constant 0 : i32
        %dma_wait3A_499 = tpu.memref_slice %arg6[%add3A_144, %dma_wait3A_498] : memref<128x80xi32, #tpu.memory_space<vmem>> -> memref<1x80xi32, #tpu.memory_space<vmem>>
        %dma_wait3A_500 = tpu.memref_squeeze %dma_wait3A_499 : memref<1x80xi32, #tpu.memory_space<vmem>> -> memref<80xi32, #tpu.memory_space<vmem>>
        %dma_wait3A_501 = arith.constant 0 : i32
        %dma_wait3A_502 = arith.constant 0 : i32
        %dma_wait3A_503 = tpu.memref_slice %arg2[%dma_wait3A_501, %dma_wait3A_502] : memref<10000x128xf32, #tpu.memory_space<hbm>> -> memref<10000x128xf32, #tpu.memory_space<hbm>>
        tpu.wait_indirect_dma semaphore(%arg8 : memref<!tpu.dma_semaphore, #tpu.memory_space<semaphore_mem>>) src(%dma_wait3A_503 : memref<10000x128xf32, #tpu.memory_space<hbm>>) dst(%dma_wait3A_497 : memref<80x128xf32, #tpu.memory_space<vmem>>)
        %add3A_504 = arith.addi %mul3A_2, %add3A_144 : i32
        %jit3A = arith.constant 32 : i32
        %div3A = arith.divsi %add3A_504, %jit3A : i32
        %sign3A = arith.constant 0 : i32
        %sign3A_505 = arith.cmpi sgt, %add3A_504, %sign3A : i32
        %sign3A_506 = arith.extui %sign3A_505 : i1 to i32
        %sign3A_507 = arith.constant 0 : i32
        %sign3A_508 = arith.cmpi slt, %add3A_504, %sign3A_507 : i32
        %sign3A_509 = arith.extui %sign3A_508 : i1 to i32
        %sign3A_510 = arith.subi %sign3A_506, %sign3A_509 : i32
        %sign3A_511 = arith.constant 0 : i32
        %sign3A_512 = arith.cmpi sgt, %jit3A, %sign3A_511 : i32
        %sign3A_513 = arith.extui %sign3A_512 : i1 to i32
        %sign3A_514 = arith.constant 0 : i32
        %sign3A_515 = arith.cmpi slt, %jit3A, %sign3A_514 : i32
        %sign3A_516 = arith.extui %sign3A_515 : i1 to i32
        %sign3A_517 = arith.subi %sign3A_513, %sign3A_516 : i32
        %ne3A = arith.cmpi ne, %sign3A_510, %sign3A_517 : i32
        %rem3A = arith.remsi %add3A_504, %jit3A : i32
        %ne3A_518 = arith.constant 0 : i32
        %ne3A_519 = arith.cmpi ne, %rem3A, %ne3A_518 : i32
        %and3A_520 = arith.andi %ne3A, %ne3A_519 : i1
        %sub3A = arith.constant 1 : i32
        %sub3A_521 = arith.subi %div3A, %sub3A : i32
        %select_n3A = arith.select %and3A_520, %sub3A_521, %div3A : i32
        %jit3A_522 = arith.constant 32 : i32
        %eq3A = arith.constant 0 : i32
        %eq3A_523 = arith.cmpi eq, %jit3A_522, %eq3A : i32
        %jit3A_524 = arith.constant 1 : i32
        %select_n3A_525 = arith.select %eq3A_523, %jit3A_524, %jit3A_522 : i32
        %rem3A_526 = arith.remsi %add3A_504, %select_n3A_525 : i32
        %ne3A_527 = arith.constant 0 : i32
        %ne3A_528 = arith.cmpi ne, %rem3A_526, %ne3A_527 : i32
        %lt3A_529 = arith.constant 0 : i32
        %lt3A_530 = arith.cmpi slt, %rem3A_526, %lt3A_529 : i32
        %lt3A_531 = arith.constant 0 : i32
        %lt3A_532 = arith.cmpi slt, %select_n3A_525, %lt3A_531 : i32
        %ne3A_533 = arith.xori %lt3A_530, %lt3A_532 : i1
        %and3A_534 = arith.andi %ne3A_533, %ne3A_528 : i1
        %add3A_535 = arith.addi %rem3A_526, %select_n3A_525 : i32
        %select_n3A_536 = arith.select %and3A_534, %add3A_535, %rem3A_526 : i32
        %mul3A_537 = arith.constant 80 : i32
        %mul3A_538 = arith.muli %select_n3A, %mul3A_537 : i32
        %multiple_of3A = tpu.assume_multiple %mul3A_538, 80 : i32
        %add3A_539 = arith.constant 1 : i32
        %add3A_540 = arith.addi %select_n3A_536, %add3A_539 : i32
        %mul3A_541 = arith.constant 128 : i32
        %mul3A_542 = arith.muli %add3A_540, %mul3A_541 : i32
        %multiple_of3A_543 = tpu.assume_multiple %mul3A_542, 128 : i32
        %dma_start3A = arith.constant 0 : i32
        %dma_start3A_544 = arith.constant 0 : i32
        %dma_start3A_545 = arith.constant 0 : i32
        %dma_start3A_546 = tpu.memref_slice %arg7[%dma_start3A, %dma_start3A_544, %dma_start3A_545] : memref<8x80x128xf32, #tpu.memory_space<vmem>> -> memref<1x80x128xf32, #tpu.memory_space<vmem>>
        %dma_start3A_547 = tpu.memref_squeeze %dma_start3A_546 : memref<1x80x128xf32, #tpu.memory_space<vmem>> -> memref<80x128xf32, #tpu.memory_space<vmem>>
        %dma_start3A_548 = tpu.memref_slice %arg5[%multiple_of3A, %multiple_of3A_543] : memref<10000x4224xf32, #tpu.memory_space<hbm>> -> memref<80x128xf32, #tpu.memory_space<hbm>>
        %dma_start3A_549 = tpu.memref_slice %arg5[%multiple_of3A, %multiple_of3A_543] : memref<10000x4224xf32, #tpu.memory_space<hbm>> -> memref<80x128xf32, #tpu.memory_space<hbm>>
        %dma_start3A_550 = arith.constant 0 : i32
        %dma_start3A_551 = arith.constant 0 : i32
        %dma_start3A_552 = tpu.memref_slice %arg7[%dma_start3A, %dma_start3A_550, %dma_start3A_551] : memref<8x80x128xf32, #tpu.memory_space<vmem>> -> memref<1x80x128xf32, #tpu.memory_space<vmem>>
        %dma_start3A_553 = tpu.memref_squeeze %dma_start3A_552 : memref<1x80x128xf32, #tpu.memory_space<vmem>> -> memref<80x128xf32, #tpu.memory_space<vmem>>
        tpu.enqueue_dma source(%dma_start3A_553 : memref<80x128xf32, #tpu.memory_space<vmem>>) target(%dma_start3A_549 : memref<80x128xf32, #tpu.memory_space<hbm>>) target_semaphore(%arg16 : memref<!tpu.dma_semaphore, #tpu.memory_space<semaphore_mem>>)
      } else {
      }
      %add3A_156 = arith.constant 1 : i32
      %add3A_157 = arith.addi %mul3A_142, %add3A_156 : i32
      %ge3A_158 = arith.constant 0 : i32
      %ge3A_159 = arith.cmpi sge, %add3A_157, %ge3A_158 : i32
      %lt3A_160 = arith.constant 128 : i32
      %lt3A_161 = arith.cmpi slt, %add3A_157, %lt3A_160 : i32
      %and3A_162 = arith.andi %ge3A_159, %lt3A_161 : i1
      %add3A_163 = arith.addi %mul3A_2, %add3A_157 : i32
      %lt3A_164 = arith.constant 4000 : i32
      %lt3A_165 = arith.cmpi slt, %add3A_163, %lt3A_164 : i32
      %and3A_166 = arith.andi %and3A_162, %lt3A_165 : i1
      %convert_element_type3A_167 = arith.extui %and3A_166 : i1 to i32
      %cond3A_168 = arith.constant 0 : i32
      %cond3A_169 = arith.cmpi ne, %convert_element_type3A_167, %cond3A_168 : i32
      scf.if %cond3A_169 {
        %dma_wait3A = arith.constant 1 : i32
        %dma_wait3A_494 = arith.constant 0 : i32
        %dma_wait3A_495 = arith.constant 0 : i32
        %dma_wait3A_496 = tpu.memref_slice %arg7[%dma_wait3A, %dma_wait3A_494, %dma_wait3A_495] : memref<8x80x128xf32, #tpu.memory_space<vmem>> -> memref<1x80x128xf32, #tpu.memory_space<vmem>>
        %dma_wait3A_497 = tpu.memref_squeeze %dma_wait3A_496 : memref<1x80x128xf32, #tpu.memory_space<vmem>> -> memref<80x128xf32, #tpu.memory_space<vmem>>
        %dma_wait3A_498 = arith.constant 0 : i32
        %dma_wait3A_499 = tpu.memref_slice %arg6[%add3A_157, %dma_wait3A_498] : memref<128x80xi32, #tpu.memory_space<vmem>> -> memref<1x80xi32, #tpu.memory_space<vmem>>
        %dma_wait3A_500 = tpu.memref_squeeze %dma_wait3A_499 : memref<1x80xi32, #tpu.memory_space<vmem>> -> memref<80xi32, #tpu.memory_space<vmem>>
        %dma_wait3A_501 = arith.constant 0 : i32
        %dma_wait3A_502 = arith.constant 0 : i32
        %dma_wait3A_503 = tpu.memref_slice %arg2[%dma_wait3A_501, %dma_wait3A_502] : memref<10000x128xf32, #tpu.memory_space<hbm>> -> memref<10000x128xf32, #tpu.memory_space<hbm>>
        tpu.wait_indirect_dma semaphore(%arg9 : memref<!tpu.dma_semaphore, #tpu.memory_space<semaphore_mem>>) src(%dma_wait3A_503 : memref<10000x128xf32, #tpu.memory_space<hbm>>) dst(%dma_wait3A_497 : memref<80x128xf32, #tpu.memory_space<vmem>>)
        %add3A_504 = arith.addi %mul3A_2, %add3A_157 : i32
        %jit3A = arith.constant 32 : i32
        %div3A = arith.divsi %add3A_504, %jit3A : i32
        %sign3A = arith.constant 0 : i32
        %sign3A_505 = arith.cmpi sgt, %add3A_504, %sign3A : i32
        %sign3A_506 = arith.extui %sign3A_505 : i1 to i32
        %sign3A_507 = arith.constant 0 : i32
        %sign3A_508 = arith.cmpi slt, %add3A_504, %sign3A_507 : i32
        %sign3A_509 = arith.extui %sign3A_508 : i1 to i32
        %sign3A_510 = arith.subi %sign3A_506, %sign3A_509 : i32
        %sign3A_511 = arith.constant 0 : i32
        %sign3A_512 = arith.cmpi sgt, %jit3A, %sign3A_511 : i32
        %sign3A_513 = arith.extui %sign3A_512 : i1 to i32
        %sign3A_514 = arith.constant 0 : i32
        %sign3A_515 = arith.cmpi slt, %jit3A, %sign3A_514 : i32
        %sign3A_516 = arith.extui %sign3A_515 : i1 to i32
        %sign3A_517 = arith.subi %sign3A_513, %sign3A_516 : i32
        %ne3A = arith.cmpi ne, %sign3A_510, %sign3A_517 : i32
        %rem3A = arith.remsi %add3A_504, %jit3A : i32
        %ne3A_518 = arith.constant 0 : i32
        %ne3A_519 = arith.cmpi ne, %rem3A, %ne3A_518 : i32
        %and3A_520 = arith.andi %ne3A, %ne3A_519 : i1
        %sub3A = arith.constant 1 : i32
        %sub3A_521 = arith.subi %div3A, %sub3A : i32
        %select_n3A = arith.select %and3A_520, %sub3A_521, %div3A : i32
        %jit3A_522 = arith.constant 32 : i32
        %eq3A = arith.constant 0 : i32
        %eq3A_523 = arith.cmpi eq, %jit3A_522, %eq3A : i32
        %jit3A_524 = arith.constant 1 : i32
        %select_n3A_525 = arith.select %eq3A_523, %jit3A_524, %jit3A_522 : i32
        %rem3A_526 = arith.remsi %add3A_504, %select_n3A_525 : i32
        %ne3A_527 = arith.constant 0 : i32
        %ne3A_528 = arith.cmpi ne, %rem3A_526, %ne3A_527 : i32
        %lt3A_529 = arith.constant 0 : i32
        %lt3A_530 = arith.cmpi slt, %rem3A_526, %lt3A_529 : i32
        %lt3A_531 = arith.constant 0 : i32
        %lt3A_532 = arith.cmpi slt, %select_n3A_525, %lt3A_531 : i32
        %ne3A_533 = arith.xori %lt3A_530, %lt3A_532 : i1
        %and3A_534 = arith.andi %ne3A_533, %ne3A_528 : i1
        %add3A_535 = arith.addi %rem3A_526, %select_n3A_525 : i32
        %select_n3A_536 = arith.select %and3A_534, %add3A_535, %rem3A_526 : i32
        %mul3A_537 = arith.constant 80 : i32
        %mul3A_538 = arith.muli %select_n3A, %mul3A_537 : i32
        %multiple_of3A = tpu.assume_multiple %mul3A_538, 80 : i32
        %add3A_539 = arith.constant 1 : i32
        %add3A_540 = arith.addi %select_n3A_536, %add3A_539 : i32
        %mul3A_541 = arith.constant 128 : i32
        %mul3A_542 = arith.muli %add3A_540, %mul3A_541 : i32
        %multiple_of3A_543 = tpu.assume_multiple %mul3A_542, 128 : i32
        %dma_start3A = arith.constant 1 : i32
        %dma_start3A_544 = arith.constant 0 : i32
        %dma_start3A_545 = arith.constant 0 : i32
        %dma_start3A_546 = tpu.memref_slice %arg7[%dma_start3A, %dma_start3A_544, %dma_start3A_545] : memref<8x80x128xf32, #tpu.memory_space<vmem>> -> memref<1x80x128xf32, #tpu.memory_space<vmem>>
        %dma_start3A_547 = tpu.memref_squeeze %dma_start3A_546 : memref<1x80x128xf32, #tpu.memory_space<vmem>> -> memref<80x128xf32, #tpu.memory_space<vmem>>
        %dma_start3A_548 = tpu.memref_slice %arg5[%multiple_of3A, %multiple_of3A_543] : memref<10000x4224xf32, #tpu.memory_space<hbm>> -> memref<80x128xf32, #tpu.memory_space<hbm>>
        %dma_start3A_549 = tpu.memref_slice %arg5[%multiple_of3A, %multiple_of3A_543] : memref<10000x4224xf32, #tpu.memory_space<hbm>> -> memref<80x128xf32, #tpu.memory_space<hbm>>
        %dma_start3A_550 = arith.constant 0 : i32
        %dma_start3A_551 = arith.constant 0 : i32
        %dma_start3A_552 = tpu.memref_slice %arg7[%dma_start3A, %dma_start3A_550, %dma_start3A_551] : memref<8x80x128xf32, #tpu.memory_space<vmem>> -> memref<1x80x128xf32, #tpu.memory_space<vmem>>
        %dma_start3A_553 = tpu.memref_squeeze %dma_start3A_552 : memref<1x80x128xf32, #tpu.memory_space<vmem>> -> memref<80x128xf32, #tpu.memory_space<vmem>>
        tpu.enqueue_dma source(%dma_start3A_553 : memref<80x128xf32, #tpu.memory_space<vmem>>) target(%dma_start3A_549 : memref<80x128xf32, #tpu.memory_space<hbm>>) target_semaphore(%arg17 : memref<!tpu.dma_semaphore, #tpu.memory_space<semaphore_mem>>)
      } else {
      }
      %add3A_170 = arith.constant 2 : i32
      %add3A_171 = arith.addi %mul3A_142, %add3A_170 : i32
      %ge3A_172 = arith.constant 0 : i32
      %ge3A_173 = arith.cmpi sge, %add3A_171, %ge3A_172 : i32
      %lt3A_174 = arith.constant 128 : i32
      %lt3A_175 = arith.cmpi slt, %add3A_171, %lt3A_174 : i32
      %and3A_176 = arith.andi %ge3A_173, %lt3A_175 : i1
      %add3A_177 = arith.addi %mul3A_2, %add3A_171 : i32
      %lt3A_178 = arith.constant 4000 : i32
      %lt3A_179 = arith.cmpi slt, %add3A_177, %lt3A_178 : i32
      %and3A_180 = arith.andi %and3A_176, %lt3A_179 : i1
      %convert_element_type3A_181 = arith.extui %and3A_180 : i1 to i32
      %cond3A_182 = arith.constant 0 : i32
      %cond3A_183 = arith.cmpi ne, %convert_element_type3A_181, %cond3A_182 : i32
      scf.if %cond3A_183 {
        %dma_wait3A = arith.constant 2 : i32
        %dma_wait3A_494 = arith.constant 0 : i32
        %dma_wait3A_495 = arith.constant 0 : i32
        %dma_wait3A_496 = tpu.memref_slice %arg7[%dma_wait3A, %dma_wait3A_494, %dma_wait3A_495] : memref<8x80x128xf32, #tpu.memory_space<vmem>> -> memref<1x80x128xf32, #tpu.memory_space<vmem>>
        %dma_wait3A_497 = tpu.memref_squeeze %dma_wait3A_496 : memref<1x80x128xf32, #tpu.memory_space<vmem>> -> memref<80x128xf32, #tpu.memory_space<vmem>>
        %dma_wait3A_498 = arith.constant 0 : i32
        %dma_wait3A_499 = tpu.memref_slice %arg6[%add3A_171, %dma_wait3A_498] : memref<128x80xi32, #tpu.memory_space<vmem>> -> memref<1x80xi32, #tpu.memory_space<vmem>>
        %dma_wait3A_500 = tpu.memref_squeeze %dma_wait3A_499 : memref<1x80xi32, #tpu.memory_space<vmem>> -> memref<80xi32, #tpu.memory_space<vmem>>
        %dma_wait3A_501 = arith.constant 0 : i32
        %dma_wait3A_502 = arith.constant 0 : i32
        %dma_wait3A_503 = tpu.memref_slice %arg2[%dma_wait3A_501, %dma_wait3A_502] : memref<10000x128xf32, #tpu.memory_space<hbm>> -> memref<10000x128xf32, #tpu.memory_space<hbm>>
        tpu.wait_indirect_dma semaphore(%arg10 : memref<!tpu.dma_semaphore, #tpu.memory_space<semaphore_mem>>) src(%dma_wait3A_503 : memref<10000x128xf32, #tpu.memory_space<hbm>>) dst(%dma_wait3A_497 : memref<80x128xf32, #tpu.memory_space<vmem>>)
        %add3A_504 = arith.addi %mul3A_2, %add3A_171 : i32
        %jit3A = arith.constant 32 : i32
        %div3A = arith.divsi %add3A_504, %jit3A : i32
        %sign3A = arith.constant 0 : i32
        %sign3A_505 = arith.cmpi sgt, %add3A_504, %sign3A : i32
        %sign3A_506 = arith.extui %sign3A_505 : i1 to i32
        %sign3A_507 = arith.constant 0 : i32
        %sign3A_508 = arith.cmpi slt, %add3A_504, %sign3A_507 : i32
        %sign3A_509 = arith.extui %sign3A_508 : i1 to i32
        %sign3A_510 = arith.subi %sign3A_506, %sign3A_509 : i32
        %sign3A_511 = arith.constant 0 : i32
        %sign3A_512 = arith.cmpi sgt, %jit3A, %sign3A_511 : i32
        %sign3A_513 = arith.extui %sign3A_512 : i1 to i32
        %sign3A_514 = arith.constant 0 : i32
        %sign3A_515 = arith.cmpi slt, %jit3A, %sign3A_514 : i32
        %sign3A_516 = arith.extui %sign3A_515 : i1 to i32
        %sign3A_517 = arith.subi %sign3A_513, %sign3A_516 : i32
        %ne3A = arith.cmpi ne, %sign3A_510, %sign3A_517 : i32
        %rem3A = arith.remsi %add3A_504, %jit3A : i32
        %ne3A_518 = arith.constant 0 : i32
        %ne3A_519 = arith.cmpi ne, %rem3A, %ne3A_518 : i32
        %and3A_520 = arith.andi %ne3A, %ne3A_519 : i1
        %sub3A = arith.constant 1 : i32
        %sub3A_521 = arith.subi %div3A, %sub3A : i32
        %select_n3A = arith.select %and3A_520, %sub3A_521, %div3A : i32
        %jit3A_522 = arith.constant 32 : i32
        %eq3A = arith.constant 0 : i32
        %eq3A_523 = arith.cmpi eq, %jit3A_522, %eq3A : i32
        %jit3A_524 = arith.constant 1 : i32
        %select_n3A_525 = arith.select %eq3A_523, %jit3A_524, %jit3A_522 : i32
        %rem3A_526 = arith.remsi %add3A_504, %select_n3A_525 : i32
        %ne3A_527 = arith.constant 0 : i32
        %ne3A_528 = arith.cmpi ne, %rem3A_526, %ne3A_527 : i32
        %lt3A_529 = arith.constant 0 : i32
        %lt3A_530 = arith.cmpi slt, %rem3A_526, %lt3A_529 : i32
        %lt3A_531 = arith.constant 0 : i32
        %lt3A_532 = arith.cmpi slt, %select_n3A_525, %lt3A_531 : i32
        %ne3A_533 = arith.xori %lt3A_530, %lt3A_532 : i1
        %and3A_534 = arith.andi %ne3A_533, %ne3A_528 : i1
        %add3A_535 = arith.addi %rem3A_526, %select_n3A_525 : i32
        %select_n3A_536 = arith.select %and3A_534, %add3A_535, %rem3A_526 : i32
        %mul3A_537 = arith.constant 80 : i32
        %mul3A_538 = arith.muli %select_n3A, %mul3A_537 : i32
        %multiple_of3A = tpu.assume_multiple %mul3A_538, 80 : i32
        %add3A_539 = arith.constant 1 : i32
        %add3A_540 = arith.addi %select_n3A_536, %add3A_539 : i32
        %mul3A_541 = arith.constant 128 : i32
        %mul3A_542 = arith.muli %add3A_540, %mul3A_541 : i32
        %multiple_of3A_543 = tpu.assume_multiple %mul3A_542, 128 : i32
        %dma_start3A = arith.constant 2 : i32
        %dma_start3A_544 = arith.constant 0 : i32
        %dma_start3A_545 = arith.constant 0 : i32
        %dma_start3A_546 = tpu.memref_slice %arg7[%dma_start3A, %dma_start3A_544, %dma_start3A_545] : memref<8x80x128xf32, #tpu.memory_space<vmem>> -> memref<1x80x128xf32, #tpu.memory_space<vmem>>
        %dma_start3A_547 = tpu.memref_squeeze %dma_start3A_546 : memref<1x80x128xf32, #tpu.memory_space<vmem>> -> memref<80x128xf32, #tpu.memory_space<vmem>>
        %dma_start3A_548 = tpu.memref_slice %arg5[%multiple_of3A, %multiple_of3A_543] : memref<10000x4224xf32, #tpu.memory_space<hbm>> -> memref<80x128xf32, #tpu.memory_space<hbm>>
        %dma_start3A_549 = tpu.memref_slice %arg5[%multiple_of3A, %multiple_of3A_543] : memref<10000x4224xf32, #tpu.memory_space<hbm>> -> memref<80x128xf32, #tpu.memory_space<hbm>>
        %dma_start3A_550 = arith.constant 0 : i32
        %dma_start3A_551 = arith.constant 0 : i32
        %dma_start3A_552 = tpu.memref_slice %arg7[%dma_start3A, %dma_start3A_550, %dma_start3A_551] : memref<8x80x128xf32, #tpu.memory_space<vmem>> -> memref<1x80x128xf32, #tpu.memory_space<vmem>>
        %dma_start3A_553 = tpu.memref_squeeze %dma_start3A_552 : memref<1x80x128xf32, #tpu.memory_space<vmem>> -> memref<80x128xf32, #tpu.memory_space<vmem>>
        tpu.enqueue_dma source(%dma_start3A_553 : memref<80x128xf32, #tpu.memory_space<vmem>>) target(%dma_start3A_549 : memref<80x128xf32, #tpu.memory_space<hbm>>) target_semaphore(%arg18 : memref<!tpu.dma_semaphore, #tpu.memory_space<semaphore_mem>>)
      } else {
      }
      %add3A_184 = arith.constant 3 : i32
      %add3A_185 = arith.addi %mul3A_142, %add3A_184 : i32
      %ge3A_186 = arith.constant 0 : i32
      %ge3A_187 = arith.cmpi sge, %add3A_185, %ge3A_186 : i32
      %lt3A_188 = arith.constant 128 : i32
      %lt3A_189 = arith.cmpi slt, %add3A_185, %lt3A_188 : i32
      %and3A_190 = arith.andi %ge3A_187, %lt3A_189 : i1
      %add3A_191 = arith.addi %mul3A_2, %add3A_185 : i32
      %lt3A_192 = arith.constant 4000 : i32
      %lt3A_193 = arith.cmpi slt, %add3A_191, %lt3A_192 : i32
      %and3A_194 = arith.andi %and3A_190, %lt3A_193 : i1
      %convert_element_type3A_195 = arith.extui %and3A_194 : i1 to i32
      %cond3A_196 = arith.constant 0 : i32
      %cond3A_197 = arith.cmpi ne, %convert_element_type3A_195, %cond3A_196 : i32
      scf.if %cond3A_197 {
        %dma_wait3A = arith.constant 3 : i32
        %dma_wait3A_494 = arith.constant 0 : i32
        %dma_wait3A_495 = arith.constant 0 : i32
        %dma_wait3A_496 = tpu.memref_slice %arg7[%dma_wait3A, %dma_wait3A_494, %dma_wait3A_495] : memref<8x80x128xf32, #tpu.memory_space<vmem>> -> memref<1x80x128xf32, #tpu.memory_space<vmem>>
        %dma_wait3A_497 = tpu.memref_squeeze %dma_wait3A_496 : memref<1x80x128xf32, #tpu.memory_space<vmem>> -> memref<80x128xf32, #tpu.memory_space<vmem>>
        %dma_wait3A_498 = arith.constant 0 : i32
        %dma_wait3A_499 = tpu.memref_slice %arg6[%add3A_185, %dma_wait3A_498] : memref<128x80xi32, #tpu.memory_space<vmem>> -> memref<1x80xi32, #tpu.memory_space<vmem>>
        %dma_wait3A_500 = tpu.memref_squeeze %dma_wait3A_499 : memref<1x80xi32, #tpu.memory_space<vmem>> -> memref<80xi32, #tpu.memory_space<vmem>>
        %dma_wait3A_501 = arith.constant 0 : i32
        %dma_wait3A_502 = arith.constant 0 : i32
        %dma_wait3A_503 = tpu.memref_slice %arg2[%dma_wait3A_501, %dma_wait3A_502] : memref<10000x128xf32, #tpu.memory_space<hbm>> -> memref<10000x128xf32, #tpu.memory_space<hbm>>
        tpu.wait_indirect_dma semaphore(%arg11 : memref<!tpu.dma_semaphore, #tpu.memory_space<semaphore_mem>>) src(%dma_wait3A_503 : memref<10000x128xf32, #tpu.memory_space<hbm>>) dst(%dma_wait3A_497 : memref<80x128xf32, #tpu.memory_space<vmem>>)
        %add3A_504 = arith.addi %mul3A_2, %add3A_185 : i32
        %jit3A = arith.constant 32 : i32
        %div3A = arith.divsi %add3A_504, %jit3A : i32
        %sign3A = arith.constant 0 : i32
        %sign3A_505 = arith.cmpi sgt, %add3A_504, %sign3A : i32
        %sign3A_506 = arith.extui %sign3A_505 : i1 to i32
        %sign3A_507 = arith.constant 0 : i32
        %sign3A_508 = arith.cmpi slt, %add3A_504, %sign3A_507 : i32
        %sign3A_509 = arith.extui %sign3A_508 : i1 to i32
        %sign3A_510 = arith.subi %sign3A_506, %sign3A_509 : i32
        %sign3A_511 = arith.constant 0 : i32
        %sign3A_512 = arith.cmpi sgt, %jit3A, %sign3A_511 : i32
        %sign3A_513 = arith.extui %sign3A_512 : i1 to i32
        %sign3A_514 = arith.constant 0 : i32
        %sign3A_515 = arith.cmpi slt, %jit3A, %sign3A_514 : i32
        %sign3A_516 = arith.extui %sign3A_515 : i1 to i32
        %sign3A_517 = arith.subi %sign3A_513, %sign3A_516 : i32
        %ne3A = arith.cmpi ne, %sign3A_510, %sign3A_517 : i32
        %rem3A = arith.remsi %add3A_504, %jit3A : i32
        %ne3A_518 = arith.constant 0 : i32
        %ne3A_519 = arith.cmpi ne, %rem3A, %ne3A_518 : i32
        %and3A_520 = arith.andi %ne3A, %ne3A_519 : i1
        %sub3A = arith.constant 1 : i32
        %sub3A_521 = arith.subi %div3A, %sub3A : i32
        %select_n3A = arith.select %and3A_520, %sub3A_521, %div3A : i32
        %jit3A_522 = arith.constant 32 : i32
        %eq3A = arith.constant 0 : i32
        %eq3A_523 = arith.cmpi eq, %jit3A_522, %eq3A : i32
        %jit3A_524 = arith.constant 1 : i32
        %select_n3A_525 = arith.select %eq3A_523, %jit3A_524, %jit3A_522 : i32
        %rem3A_526 = arith.remsi %add3A_504, %select_n3A_525 : i32
        %ne3A_527 = arith.constant 0 : i32
        %ne3A_528 = arith.cmpi ne, %rem3A_526, %ne3A_527 : i32
        %lt3A_529 = arith.constant 0 : i32
        %lt3A_530 = arith.cmpi slt, %rem3A_526, %lt3A_529 : i32
        %lt3A_531 = arith.constant 0 : i32
        %lt3A_532 = arith.cmpi slt, %select_n3A_525, %lt3A_531 : i32
        %ne3A_533 = arith.xori %lt3A_530, %lt3A_532 : i1
        %and3A_534 = arith.andi %ne3A_533, %ne3A_528 : i1
        %add3A_535 = arith.addi %rem3A_526, %select_n3A_525 : i32
        %select_n3A_536 = arith.select %and3A_534, %add3A_535, %rem3A_526 : i32
        %mul3A_537 = arith.constant 80 : i32
        %mul3A_538 = arith.muli %select_n3A, %mul3A_537 : i32
        %multiple_of3A = tpu.assume_multiple %mul3A_538, 80 : i32
        %add3A_539 = arith.constant 1 : i32
        %add3A_540 = arith.addi %select_n3A_536, %add3A_539 : i32
        %mul3A_541 = arith.constant 128 : i32
        %mul3A_542 = arith.muli %add3A_540, %mul3A_541 : i32
        %multiple_of3A_543 = tpu.assume_multiple %mul3A_542, 128 : i32
        %dma_start3A = arith.constant 3 : i32
        %dma_start3A_544 = arith.constant 0 : i32
        %dma_start3A_545 = arith.constant 0 : i32
        %dma_start3A_546 = tpu.memref_slice %arg7[%dma_start3A, %dma_start3A_544, %dma_start3A_545] : memref<8x80x128xf32, #tpu.memory_space<vmem>> -> memref<1x80x128xf32, #tpu.memory_space<vmem>>
        %dma_start3A_547 = tpu.memref_squeeze %dma_start3A_546 : memref<1x80x128xf32, #tpu.memory_space<vmem>> -> memref<80x128xf32, #tpu.memory_space<vmem>>
        %dma_start3A_548 = tpu.memref_slice %arg5[%multiple_of3A, %multiple_of3A_543] : memref<10000x4224xf32, #tpu.memory_space<hbm>> -> memref<80x128xf32, #tpu.memory_space<hbm>>
        %dma_start3A_549 = tpu.memref_slice %arg5[%multiple_of3A, %multiple_of3A_543] : memref<10000x4224xf32, #tpu.memory_space<hbm>> -> memref<80x128xf32, #tpu.memory_space<hbm>>
        %dma_start3A_550 = arith.constant 0 : i32
        %dma_start3A_551 = arith.constant 0 : i32
        %dma_start3A_552 = tpu.memref_slice %arg7[%dma_start3A, %dma_start3A_550, %dma_start3A_551] : memref<8x80x128xf32, #tpu.memory_space<vmem>> -> memref<1x80x128xf32, #tpu.memory_space<vmem>>
        %dma_start3A_553 = tpu.memref_squeeze %dma_start3A_552 : memref<1x80x128xf32, #tpu.memory_space<vmem>> -> memref<80x128xf32, #tpu.memory_space<vmem>>
        tpu.enqueue_dma source(%dma_start3A_553 : memref<80x128xf32, #tpu.memory_space<vmem>>) target(%dma_start3A_549 : memref<80x128xf32, #tpu.memory_space<hbm>>) target_semaphore(%arg19 : memref<!tpu.dma_semaphore, #tpu.memory_space<semaphore_mem>>)
      } else {
      }
      %add3A_198 = arith.constant 4 : i32
      %add3A_199 = arith.addi %mul3A_142, %add3A_198 : i32
      %ge3A_200 = arith.constant 0 : i32
      %ge3A_201 = arith.cmpi sge, %add3A_199, %ge3A_200 : i32
      %lt3A_202 = arith.constant 128 : i32
      %lt3A_203 = arith.cmpi slt, %add3A_199, %lt3A_202 : i32
      %and3A_204 = arith.andi %ge3A_201, %lt3A_203 : i1
      %add3A_205 = arith.addi %mul3A_2, %add3A_199 : i32
      %lt3A_206 = arith.constant 4000 : i32
      %lt3A_207 = arith.cmpi slt, %add3A_205, %lt3A_206 : i32
      %and3A_208 = arith.andi %and3A_204, %lt3A_207 : i1
      %convert_element_type3A_209 = arith.extui %and3A_208 : i1 to i32
      %cond3A_210 = arith.constant 0 : i32
      %cond3A_211 = arith.cmpi ne, %convert_element_type3A_209, %cond3A_210 : i32
      scf.if %cond3A_211 {
        %dma_wait3A = arith.constant 4 : i32
        %dma_wait3A_494 = arith.constant 0 : i32
        %dma_wait3A_495 = arith.constant 0 : i32
        %dma_wait3A_496 = tpu.memref_slice %arg7[%dma_wait3A, %dma_wait3A_494, %dma_wait3A_495] : memref<8x80x128xf32, #tpu.memory_space<vmem>> -> memref<1x80x128xf32, #tpu.memory_space<vmem>>
        %dma_wait3A_497 = tpu.memref_squeeze %dma_wait3A_496 : memref<1x80x128xf32, #tpu.memory_space<vmem>> -> memref<80x128xf32, #tpu.memory_space<vmem>>
        %dma_wait3A_498 = arith.constant 0 : i32
        %dma_wait3A_499 = tpu.memref_slice %arg6[%add3A_199, %dma_wait3A_498] : memref<128x80xi32, #tpu.memory_space<vmem>> -> memref<1x80xi32, #tpu.memory_space<vmem>>
        %dma_wait3A_500 = tpu.memref_squeeze %dma_wait3A_499 : memref<1x80xi32, #tpu.memory_space<vmem>> -> memref<80xi32, #tpu.memory_space<vmem>>
        %dma_wait3A_501 = arith.constant 0 : i32
        %dma_wait3A_502 = arith.constant 0 : i32
        %dma_wait3A_503 = tpu.memref_slice %arg2[%dma_wait3A_501, %dma_wait3A_502] : memref<10000x128xf32, #tpu.memory_space<hbm>> -> memref<10000x128xf32, #tpu.memory_space<hbm>>
        tpu.wait_indirect_dma semaphore(%arg12 : memref<!tpu.dma_semaphore, #tpu.memory_space<semaphore_mem>>) src(%dma_wait3A_503 : memref<10000x128xf32, #tpu.memory_space<hbm>>) dst(%dma_wait3A_497 : memref<80x128xf32, #tpu.memory_space<vmem>>)
        %add3A_504 = arith.addi %mul3A_2, %add3A_199 : i32
        %jit3A = arith.constant 32 : i32
        %div3A = arith.divsi %add3A_504, %jit3A : i32
        %sign3A = arith.constant 0 : i32
        %sign3A_505 = arith.cmpi sgt, %add3A_504, %sign3A : i32
        %sign3A_506 = arith.extui %sign3A_505 : i1 to i32
        %sign3A_507 = arith.constant 0 : i32
        %sign3A_508 = arith.cmpi slt, %add3A_504, %sign3A_507 : i32
        %sign3A_509 = arith.extui %sign3A_508 : i1 to i32
        %sign3A_510 = arith.subi %sign3A_506, %sign3A_509 : i32
        %sign3A_511 = arith.constant 0 : i32
        %sign3A_512 = arith.cmpi sgt, %jit3A, %sign3A_511 : i32
        %sign3A_513 = arith.extui %sign3A_512 : i1 to i32
        %sign3A_514 = arith.constant 0 : i32
        %sign3A_515 = arith.cmpi slt, %jit3A, %sign3A_514 : i32
        %sign3A_516 = arith.extui %sign3A_515 : i1 to i32
        %sign3A_517 = arith.subi %sign3A_513, %sign3A_516 : i32
        %ne3A = arith.cmpi ne, %sign3A_510, %sign3A_517 : i32
        %rem3A = arith.remsi %add3A_504, %jit3A : i32
        %ne3A_518 = arith.constant 0 : i32
        %ne3A_519 = arith.cmpi ne, %rem3A, %ne3A_518 : i32
        %and3A_520 = arith.andi %ne3A, %ne3A_519 : i1
        %sub3A = arith.constant 1 : i32
        %sub3A_521 = arith.subi %div3A, %sub3A : i32
        %select_n3A = arith.select %and3A_520, %sub3A_521, %div3A : i32
        %jit3A_522 = arith.constant 32 : i32
        %eq3A = arith.constant 0 : i32
        %eq3A_523 = arith.cmpi eq, %jit3A_522, %eq3A : i32
        %jit3A_524 = arith.constant 1 : i32
        %select_n3A_525 = arith.select %eq3A_523, %jit3A_524, %jit3A_522 : i32
        %rem3A_526 = arith.remsi %add3A_504, %select_n3A_525 : i32
        %ne3A_527 = arith.constant 0 : i32
        %ne3A_528 = arith.cmpi ne, %rem3A_526, %ne3A_527 : i32
        %lt3A_529 = arith.constant 0 : i32
        %lt3A_530 = arith.cmpi slt, %rem3A_526, %lt3A_529 : i32
        %lt3A_531 = arith.constant 0 : i32
        %lt3A_532 = arith.cmpi slt, %select_n3A_525, %lt3A_531 : i32
        %ne3A_533 = arith.xori %lt3A_530, %lt3A_532 : i1
        %and3A_534 = arith.andi %ne3A_533, %ne3A_528 : i1
        %add3A_535 = arith.addi %rem3A_526, %select_n3A_525 : i32
        %select_n3A_536 = arith.select %and3A_534, %add3A_535, %rem3A_526 : i32
        %mul3A_537 = arith.constant 80 : i32
        %mul3A_538 = arith.muli %select_n3A, %mul3A_537 : i32
        %multiple_of3A = tpu.assume_multiple %mul3A_538, 80 : i32
        %add3A_539 = arith.constant 1 : i32
        %add3A_540 = arith.addi %select_n3A_536, %add3A_539 : i32
        %mul3A_541 = arith.constant 128 : i32
        %mul3A_542 = arith.muli %add3A_540, %mul3A_541 : i32
        %multiple_of3A_543 = tpu.assume_multiple %mul3A_542, 128 : i32
        %dma_start3A = arith.constant 4 : i32
        %dma_start3A_544 = arith.constant 0 : i32
        %dma_start3A_545 = arith.constant 0 : i32
        %dma_start3A_546 = tpu.memref_slice %arg7[%dma_start3A, %dma_start3A_544, %dma_start3A_545] : memref<8x80x128xf32, #tpu.memory_space<vmem>> -> memref<1x80x128xf32, #tpu.memory_space<vmem>>
        %dma_start3A_547 = tpu.memref_squeeze %dma_start3A_546 : memref<1x80x128xf32, #tpu.memory_space<vmem>> -> memref<80x128xf32, #tpu.memory_space<vmem>>
        %dma_start3A_548 = tpu.memref_slice %arg5[%multiple_of3A, %multiple_of3A_543] : memref<10000x4224xf32, #tpu.memory_space<hbm>> -> memref<80x128xf32, #tpu.memory_space<hbm>>
        %dma_start3A_549 = tpu.memref_slice %arg5[%multiple_of3A, %multiple_of3A_543] : memref<10000x4224xf32, #tpu.memory_space<hbm>> -> memref<80x128xf32, #tpu.memory_space<hbm>>
        %dma_start3A_550 = arith.constant 0 : i32
        %dma_start3A_551 = arith.constant 0 : i32
        %dma_start3A_552 = tpu.memref_slice %arg7[%dma_start3A, %dma_start3A_550, %dma_start3A_551] : memref<8x80x128xf32, #tpu.memory_space<vmem>> -> memref<1x80x128xf32, #tpu.memory_space<vmem>>
        %dma_start3A_553 = tpu.memref_squeeze %dma_start3A_552 : memref<1x80x128xf32, #tpu.memory_space<vmem>> -> memref<80x128xf32, #tpu.memory_space<vmem>>
        tpu.enqueue_dma source(%dma_start3A_553 : memref<80x128xf32, #tpu.memory_space<vmem>>) target(%dma_start3A_549 : memref<80x128xf32, #tpu.memory_space<hbm>>) target_semaphore(%arg20 : memref<!tpu.dma_semaphore, #tpu.memory_space<semaphore_mem>>)
      } else {
      }
      %add3A_212 = arith.constant 5 : i32
      %add3A_213 = arith.addi %mul3A_142, %add3A_212 : i32
      %ge3A_214 = arith.constant 0 : i32
      %ge3A_215 = arith.cmpi sge, %add3A_213, %ge3A_214 : i32
      %lt3A_216 = arith.constant 128 : i32
      %lt3A_217 = arith.cmpi slt, %add3A_213, %lt3A_216 : i32
      %and3A_218 = arith.andi %ge3A_215, %lt3A_217 : i1
      %add3A_219 = arith.addi %mul3A_2, %add3A_213 : i32
      %lt3A_220 = arith.constant 4000 : i32
      %lt3A_221 = arith.cmpi slt, %add3A_219, %lt3A_220 : i32
      %and3A_222 = arith.andi %and3A_218, %lt3A_221 : i1
      %convert_element_type3A_223 = arith.extui %and3A_222 : i1 to i32
      %cond3A_224 = arith.constant 0 : i32
      %cond3A_225 = arith.cmpi ne, %convert_element_type3A_223, %cond3A_224 : i32
      scf.if %cond3A_225 {
        %dma_wait3A = arith.constant 5 : i32
        %dma_wait3A_494 = arith.constant 0 : i32
        %dma_wait3A_495 = arith.constant 0 : i32
        %dma_wait3A_496 = tpu.memref_slice %arg7[%dma_wait3A, %dma_wait3A_494, %dma_wait3A_495] : memref<8x80x128xf32, #tpu.memory_space<vmem>> -> memref<1x80x128xf32, #tpu.memory_space<vmem>>
        %dma_wait3A_497 = tpu.memref_squeeze %dma_wait3A_496 : memref<1x80x128xf32, #tpu.memory_space<vmem>> -> memref<80x128xf32, #tpu.memory_space<vmem>>
        %dma_wait3A_498 = arith.constant 0 : i32
        %dma_wait3A_499 = tpu.memref_slice %arg6[%add3A_213, %dma_wait3A_498] : memref<128x80xi32, #tpu.memory_space<vmem>> -> memref<1x80xi32, #tpu.memory_space<vmem>>
        %dma_wait3A_500 = tpu.memref_squeeze %dma_wait3A_499 : memref<1x80xi32, #tpu.memory_space<vmem>> -> memref<80xi32, #tpu.memory_space<vmem>>
        %dma_wait3A_501 = arith.constant 0 : i32
        %dma_wait3A_502 = arith.constant 0 : i32
        %dma_wait3A_503 = tpu.memref_slice %arg2[%dma_wait3A_501, %dma_wait3A_502] : memref<10000x128xf32, #tpu.memory_space<hbm>> -> memref<10000x128xf32, #tpu.memory_space<hbm>>
        tpu.wait_indirect_dma semaphore(%arg13 : memref<!tpu.dma_semaphore, #tpu.memory_space<semaphore_mem>>) src(%dma_wait3A_503 : memref<10000x128xf32, #tpu.memory_space<hbm>>) dst(%dma_wait3A_497 : memref<80x128xf32, #tpu.memory_space<vmem>>)
        %add3A_504 = arith.addi %mul3A_2, %add3A_213 : i32
        %jit3A = arith.constant 32 : i32
        %div3A = arith.divsi %add3A_504, %jit3A : i32
        %sign3A = arith.constant 0 : i32
        %sign3A_505 = arith.cmpi sgt, %add3A_504, %sign3A : i32
        %sign3A_506 = arith.extui %sign3A_505 : i1 to i32
        %sign3A_507 = arith.constant 0 : i32
        %sign3A_508 = arith.cmpi slt, %add3A_504, %sign3A_507 : i32
        %sign3A_509 = arith.extui %sign3A_508 : i1 to i32
        %sign3A_510 = arith.subi %sign3A_506, %sign3A_509 : i32
        %sign3A_511 = arith.constant 0 : i32
        %sign3A_512 = arith.cmpi sgt, %jit3A, %sign3A_511 : i32
        %sign3A_513 = arith.extui %sign3A_512 : i1 to i32
        %sign3A_514 = arith.constant 0 : i32
        %sign3A_515 = arith.cmpi slt, %jit3A, %sign3A_514 : i32
        %sign3A_516 = arith.extui %sign3A_515 : i1 to i32
        %sign3A_517 = arith.subi %sign3A_513, %sign3A_516 : i32
        %ne3A = arith.cmpi ne, %sign3A_510, %sign3A_517 : i32
        %rem3A = arith.remsi %add3A_504, %jit3A : i32
        %ne3A_518 = arith.constant 0 : i32
        %ne3A_519 = arith.cmpi ne, %rem3A, %ne3A_518 : i32
        %and3A_520 = arith.andi %ne3A, %ne3A_519 : i1
        %sub3A = arith.constant 1 : i32
        %sub3A_521 = arith.subi %div3A, %sub3A : i32
        %select_n3A = arith.select %and3A_520, %sub3A_521, %div3A : i32
        %jit3A_522 = arith.constant 32 : i32
        %eq3A = arith.constant 0 : i32
        %eq3A_523 = arith.cmpi eq, %jit3A_522, %eq3A : i32
        %jit3A_524 = arith.constant 1 : i32
        %select_n3A_525 = arith.select %eq3A_523, %jit3A_524, %jit3A_522 : i32
        %rem3A_526 = arith.remsi %add3A_504, %select_n3A_525 : i32
        %ne3A_527 = arith.constant 0 : i32
        %ne3A_528 = arith.cmpi ne, %rem3A_526, %ne3A_527 : i32
        %lt3A_529 = arith.constant 0 : i32
        %lt3A_530 = arith.cmpi slt, %rem3A_526, %lt3A_529 : i32
        %lt3A_531 = arith.constant 0 : i32
        %lt3A_532 = arith.cmpi slt, %select_n3A_525, %lt3A_531 : i32
        %ne3A_533 = arith.xori %lt3A_530, %lt3A_532 : i1
        %and3A_534 = arith.andi %ne3A_533, %ne3A_528 : i1
        %add3A_535 = arith.addi %rem3A_526, %select_n3A_525 : i32
        %select_n3A_536 = arith.select %and3A_534, %add3A_535, %rem3A_526 : i32
        %mul3A_537 = arith.constant 80 : i32
        %mul3A_538 = arith.muli %select_n3A, %mul3A_537 : i32
        %multiple_of3A = tpu.assume_multiple %mul3A_538, 80 : i32
        %add3A_539 = arith.constant 1 : i32
        %add3A_540 = arith.addi %select_n3A_536, %add3A_539 : i32
        %mul3A_541 = arith.constant 128 : i32
        %mul3A_542 = arith.muli %add3A_540, %mul3A_541 : i32
        %multiple_of3A_543 = tpu.assume_multiple %mul3A_542, 128 : i32
        %dma_start3A = arith.constant 5 : i32
        %dma_start3A_544 = arith.constant 0 : i32
        %dma_start3A_545 = arith.constant 0 : i32
        %dma_start3A_546 = tpu.memref_slice %arg7[%dma_start3A, %dma_start3A_544, %dma_start3A_545] : memref<8x80x128xf32, #tpu.memory_space<vmem>> -> memref<1x80x128xf32, #tpu.memory_space<vmem>>
        %dma_start3A_547 = tpu.memref_squeeze %dma_start3A_546 : memref<1x80x128xf32, #tpu.memory_space<vmem>> -> memref<80x128xf32, #tpu.memory_space<vmem>>
        %dma_start3A_548 = tpu.memref_slice %arg5[%multiple_of3A, %multiple_of3A_543] : memref<10000x4224xf32, #tpu.memory_space<hbm>> -> memref<80x128xf32, #tpu.memory_space<hbm>>
        %dma_start3A_549 = tpu.memref_slice %arg5[%multiple_of3A, %multiple_of3A_543] : memref<10000x4224xf32, #tpu.memory_space<hbm>> -> memref<80x128xf32, #tpu.memory_space<hbm>>
        %dma_start3A_550 = arith.constant 0 : i32
        %dma_start3A_551 = arith.constant 0 : i32
        %dma_start3A_552 = tpu.memref_slice %arg7[%dma_start3A, %dma_start3A_550, %dma_start3A_551] : memref<8x80x128xf32, #tpu.memory_space<vmem>> -> memref<1x80x128xf32, #tpu.memory_space<vmem>>
        %dma_start3A_553 = tpu.memref_squeeze %dma_start3A_552 : memref<1x80x128xf32, #tpu.memory_space<vmem>> -> memref<80x128xf32, #tpu.memory_space<vmem>>
        tpu.enqueue_dma source(%dma_start3A_553 : memref<80x128xf32, #tpu.memory_space<vmem>>) target(%dma_start3A_549 : memref<80x128xf32, #tpu.memory_space<hbm>>) target_semaphore(%arg21 : memref<!tpu.dma_semaphore, #tpu.memory_space<semaphore_mem>>)
      } else {
      }
      %add3A_226 = arith.constant 6 : i32
      %add3A_227 = arith.addi %mul3A_142, %add3A_226 : i32
      %ge3A_228 = arith.constant 0 : i32
      %ge3A_229 = arith.cmpi sge, %add3A_227, %ge3A_228 : i32
      %lt3A_230 = arith.constant 128 : i32
      %lt3A_231 = arith.cmpi slt, %add3A_227, %lt3A_230 : i32
      %and3A_232 = arith.andi %ge3A_229, %lt3A_231 : i1
      %add3A_233 = arith.addi %mul3A_2, %add3A_227 : i32
      %lt3A_234 = arith.constant 4000 : i32
      %lt3A_235 = arith.cmpi slt, %add3A_233, %lt3A_234 : i32
      %and3A_236 = arith.andi %and3A_232, %lt3A_235 : i1
      %convert_element_type3A_237 = arith.extui %and3A_236 : i1 to i32
      %cond3A_238 = arith.constant 0 : i32
      %cond3A_239 = arith.cmpi ne, %convert_element_type3A_237, %cond3A_238 : i32
      scf.if %cond3A_239 {
        %dma_wait3A = arith.constant 6 : i32
        %dma_wait3A_494 = arith.constant 0 : i32
        %dma_wait3A_495 = arith.constant 0 : i32
        %dma_wait3A_496 = tpu.memref_slice %arg7[%dma_wait3A, %dma_wait3A_494, %dma_wait3A_495] : memref<8x80x128xf32, #tpu.memory_space<vmem>> -> memref<1x80x128xf32, #tpu.memory_space<vmem>>
        %dma_wait3A_497 = tpu.memref_squeeze %dma_wait3A_496 : memref<1x80x128xf32, #tpu.memory_space<vmem>> -> memref<80x128xf32, #tpu.memory_space<vmem>>
        %dma_wait3A_498 = arith.constant 0 : i32
        %dma_wait3A_499 = tpu.memref_slice %arg6[%add3A_227, %dma_wait3A_498] : memref<128x80xi32, #tpu.memory_space<vmem>> -> memref<1x80xi32, #tpu.memory_space<vmem>>
        %dma_wait3A_500 = tpu.memref_squeeze %dma_wait3A_499 : memref<1x80xi32, #tpu.memory_space<vmem>> -> memref<80xi32, #tpu.memory_space<vmem>>
        %dma_wait3A_501 = arith.constant 0 : i32
        %dma_wait3A_502 = arith.constant 0 : i32
        %dma_wait3A_503 = tpu.memref_slice %arg2[%dma_wait3A_501, %dma_wait3A_502] : memref<10000x128xf32, #tpu.memory_space<hbm>> -> memref<10000x128xf32, #tpu.memory_space<hbm>>
        tpu.wait_indirect_dma semaphore(%arg14 : memref<!tpu.dma_semaphore, #tpu.memory_space<semaphore_mem>>) src(%dma_wait3A_503 : memref<10000x128xf32, #tpu.memory_space<hbm>>) dst(%dma_wait3A_497 : memref<80x128xf32, #tpu.memory_space<vmem>>)
        %add3A_504 = arith.addi %mul3A_2, %add3A_227 : i32
        %jit3A = arith.constant 32 : i32
        %div3A = arith.divsi %add3A_504, %jit3A : i32
        %sign3A = arith.constant 0 : i32
        %sign3A_505 = arith.cmpi sgt, %add3A_504, %sign3A : i32
        %sign3A_506 = arith.extui %sign3A_505 : i1 to i32
        %sign3A_507 = arith.constant 0 : i32
        %sign3A_508 = arith.cmpi slt, %add3A_504, %sign3A_507 : i32
        %sign3A_509 = arith.extui %sign3A_508 : i1 to i32
        %sign3A_510 = arith.subi %sign3A_506, %sign3A_509 : i32
        %sign3A_511 = arith.constant 0 : i32
        %sign3A_512 = arith.cmpi sgt, %jit3A, %sign3A_511 : i32
        %sign3A_513 = arith.extui %sign3A_512 : i1 to i32
        %sign3A_514 = arith.constant 0 : i32
        %sign3A_515 = arith.cmpi slt, %jit3A, %sign3A_514 : i32
        %sign3A_516 = arith.extui %sign3A_515 : i1 to i32
        %sign3A_517 = arith.subi %sign3A_513, %sign3A_516 : i32
        %ne3A = arith.cmpi ne, %sign3A_510, %sign3A_517 : i32
        %rem3A = arith.remsi %add3A_504, %jit3A : i32
        %ne3A_518 = arith.constant 0 : i32
        %ne3A_519 = arith.cmpi ne, %rem3A, %ne3A_518 : i32
        %and3A_520 = arith.andi %ne3A, %ne3A_519 : i1
        %sub3A = arith.constant 1 : i32
        %sub3A_521 = arith.subi %div3A, %sub3A : i32
        %select_n3A = arith.select %and3A_520, %sub3A_521, %div3A : i32
        %jit3A_522 = arith.constant 32 : i32
        %eq3A = arith.constant 0 : i32
        %eq3A_523 = arith.cmpi eq, %jit3A_522, %eq3A : i32
        %jit3A_524 = arith.constant 1 : i32
        %select_n3A_525 = arith.select %eq3A_523, %jit3A_524, %jit3A_522 : i32
        %rem3A_526 = arith.remsi %add3A_504, %select_n3A_525 : i32
        %ne3A_527 = arith.constant 0 : i32
        %ne3A_528 = arith.cmpi ne, %rem3A_526, %ne3A_527 : i32
        %lt3A_529 = arith.constant 0 : i32
        %lt3A_530 = arith.cmpi slt, %rem3A_526, %lt3A_529 : i32
        %lt3A_531 = arith.constant 0 : i32
        %lt3A_532 = arith.cmpi slt, %select_n3A_525, %lt3A_531 : i32
        %ne3A_533 = arith.xori %lt3A_530, %lt3A_532 : i1
        %and3A_534 = arith.andi %ne3A_533, %ne3A_528 : i1
        %add3A_535 = arith.addi %rem3A_526, %select_n3A_525 : i32
        %select_n3A_536 = arith.select %and3A_534, %add3A_535, %rem3A_526 : i32
        %mul3A_537 = arith.constant 80 : i32
        %mul3A_538 = arith.muli %select_n3A, %mul3A_537 : i32
        %multiple_of3A = tpu.assume_multiple %mul3A_538, 80 : i32
        %add3A_539 = arith.constant 1 : i32
        %add3A_540 = arith.addi %select_n3A_536, %add3A_539 : i32
        %mul3A_541 = arith.constant 128 : i32
        %mul3A_542 = arith.muli %add3A_540, %mul3A_541 : i32
        %multiple_of3A_543 = tpu.assume_multiple %mul3A_542, 128 : i32
        %dma_start3A = arith.constant 6 : i32
        %dma_start3A_544 = arith.constant 0 : i32
        %dma_start3A_545 = arith.constant 0 : i32
        %dma_start3A_546 = tpu.memref_slice %arg7[%dma_start3A, %dma_start3A_544, %dma_start3A_545] : memref<8x80x128xf32, #tpu.memory_space<vmem>> -> memref<1x80x128xf32, #tpu.memory_space<vmem>>
        %dma_start3A_547 = tpu.memref_squeeze %dma_start3A_546 : memref<1x80x128xf32, #tpu.memory_space<vmem>> -> memref<80x128xf32, #tpu.memory_space<vmem>>
        %dma_start3A_548 = tpu.memref_slice %arg5[%multiple_of3A, %multiple_of3A_543] : memref<10000x4224xf32, #tpu.memory_space<hbm>> -> memref<80x128xf32, #tpu.memory_space<hbm>>
        %dma_start3A_549 = tpu.memref_slice %arg5[%multiple_of3A, %multiple_of3A_543] : memref<10000x4224xf32, #tpu.memory_space<hbm>> -> memref<80x128xf32, #tpu.memory_space<hbm>>
        %dma_start3A_550 = arith.constant 0 : i32
        %dma_start3A_551 = arith.constant 0 : i32
        %dma_start3A_552 = tpu.memref_slice %arg7[%dma_start3A, %dma_start3A_550, %dma_start3A_551] : memref<8x80x128xf32, #tpu.memory_space<vmem>> -> memref<1x80x128xf32, #tpu.memory_space<vmem>>
        %dma_start3A_553 = tpu.memref_squeeze %dma_start3A_552 : memref<1x80x128xf32, #tpu.memory_space<vmem>> -> memref<80x128xf32, #tpu.memory_space<vmem>>
        tpu.enqueue_dma source(%dma_start3A_553 : memref<80x128xf32, #tpu.memory_space<vmem>>) target(%dma_start3A_549 : memref<80x128xf32, #tpu.memory_space<hbm>>) target_semaphore(%arg22 : memref<!tpu.dma_semaphore, #tpu.memory_space<semaphore_mem>>)
      } else {
      }
      %add3A_240 = arith.constant 7 : i32
      %add3A_241 = arith.addi %mul3A_142, %add3A_240 : i32
      %ge3A_242 = arith.constant 0 : i32
      %ge3A_243 = arith.cmpi sge, %add3A_241, %ge3A_242 : i32
      %lt3A_244 = arith.constant 128 : i32
      %lt3A_245 = arith.cmpi slt, %add3A_241, %lt3A_244 : i32
      %and3A_246 = arith.andi %ge3A_243, %lt3A_245 : i1
      %add3A_247 = arith.addi %mul3A_2, %add3A_241 : i32
      %lt3A_248 = arith.constant 4000 : i32
      %lt3A_249 = arith.cmpi slt, %add3A_247, %lt3A_248 : i32
      %and3A_250 = arith.andi %and3A_246, %lt3A_249 : i1
      %convert_element_type3A_251 = arith.extui %and3A_250 : i1 to i32
      %cond3A_252 = arith.constant 0 : i32
      %cond3A_253 = arith.cmpi ne, %convert_element_type3A_251, %cond3A_252 : i32
      scf.if %cond3A_253 {
        %dma_wait3A = arith.constant 7 : i32
        %dma_wait3A_494 = arith.constant 0 : i32
        %dma_wait3A_495 = arith.constant 0 : i32
        %dma_wait3A_496 = tpu.memref_slice %arg7[%dma_wait3A, %dma_wait3A_494, %dma_wait3A_495] : memref<8x80x128xf32, #tpu.memory_space<vmem>> -> memref<1x80x128xf32, #tpu.memory_space<vmem>>
        %dma_wait3A_497 = tpu.memref_squeeze %dma_wait3A_496 : memref<1x80x128xf32, #tpu.memory_space<vmem>> -> memref<80x128xf32, #tpu.memory_space<vmem>>
        %dma_wait3A_498 = arith.constant 0 : i32
        %dma_wait3A_499 = tpu.memref_slice %arg6[%add3A_241, %dma_wait3A_498] : memref<128x80xi32, #tpu.memory_space<vmem>> -> memref<1x80xi32, #tpu.memory_space<vmem>>
        %dma_wait3A_500 = tpu.memref_squeeze %dma_wait3A_499 : memref<1x80xi32, #tpu.memory_space<vmem>> -> memref<80xi32, #tpu.memory_space<vmem>>
        %dma_wait3A_501 = arith.constant 0 : i32
        %dma_wait3A_502 = arith.constant 0 : i32
        %dma_wait3A_503 = tpu.memref_slice %arg2[%dma_wait3A_501, %dma_wait3A_502] : memref<10000x128xf32, #tpu.memory_space<hbm>> -> memref<10000x128xf32, #tpu.memory_space<hbm>>
        tpu.wait_indirect_dma semaphore(%arg15 : memref<!tpu.dma_semaphore, #tpu.memory_space<semaphore_mem>>) src(%dma_wait3A_503 : memref<10000x128xf32, #tpu.memory_space<hbm>>) dst(%dma_wait3A_497 : memref<80x128xf32, #tpu.memory_space<vmem>>)
        %add3A_504 = arith.addi %mul3A_2, %add3A_241 : i32
        %jit3A = arith.constant 32 : i32
        %div3A = arith.divsi %add3A_504, %jit3A : i32
        %sign3A = arith.constant 0 : i32
        %sign3A_505 = arith.cmpi sgt, %add3A_504, %sign3A : i32
        %sign3A_506 = arith.extui %sign3A_505 : i1 to i32
        %sign3A_507 = arith.constant 0 : i32
        %sign3A_508 = arith.cmpi slt, %add3A_504, %sign3A_507 : i32
        %sign3A_509 = arith.extui %sign3A_508 : i1 to i32
        %sign3A_510 = arith.subi %sign3A_506, %sign3A_509 : i32
        %sign3A_511 = arith.constant 0 : i32
        %sign3A_512 = arith.cmpi sgt, %jit3A, %sign3A_511 : i32
        %sign3A_513 = arith.extui %sign3A_512 : i1 to i32
        %sign3A_514 = arith.constant 0 : i32
        %sign3A_515 = arith.cmpi slt, %jit3A, %sign3A_514 : i32
        %sign3A_516 = arith.extui %sign3A_515 : i1 to i32
        %sign3A_517 = arith.subi %sign3A_513, %sign3A_516 : i32
        %ne3A = arith.cmpi ne, %sign3A_510, %sign3A_517 : i32
        %rem3A = arith.remsi %add3A_504, %jit3A : i32
        %ne3A_518 = arith.constant 0 : i32
        %ne3A_519 = arith.cmpi ne, %rem3A, %ne3A_518 : i32
        %and3A_520 = arith.andi %ne3A, %ne3A_519 : i1
        %sub3A = arith.constant 1 : i32
        %sub3A_521 = arith.subi %div3A, %sub3A : i32
        %select_n3A = arith.select %and3A_520, %sub3A_521, %div3A : i32
        %jit3A_522 = arith.constant 32 : i32
        %eq3A = arith.constant 0 : i32
        %eq3A_523 = arith.cmpi eq, %jit3A_522, %eq3A : i32
        %jit3A_524 = arith.constant 1 : i32
        %select_n3A_525 = arith.select %eq3A_523, %jit3A_524, %jit3A_522 : i32
        %rem3A_526 = arith.remsi %add3A_504, %select_n3A_525 : i32
        %ne3A_527 = arith.constant 0 : i32
        %ne3A_528 = arith.cmpi ne, %rem3A_526, %ne3A_527 : i32
        %lt3A_529 = arith.constant 0 : i32
        %lt3A_530 = arith.cmpi slt, %rem3A_526, %lt3A_529 : i32
        %lt3A_531 = arith.constant 0 : i32
        %lt3A_532 = arith.cmpi slt, %select_n3A_525, %lt3A_531 : i32
        %ne3A_533 = arith.xori %lt3A_530, %lt3A_532 : i1
        %and3A_534 = arith.andi %ne3A_533, %ne3A_528 : i1
        %add3A_535 = arith.addi %rem3A_526, %select_n3A_525 : i32
        %select_n3A_536 = arith.select %and3A_534, %add3A_535, %rem3A_526 : i32
        %mul3A_537 = arith.constant 80 : i32
        %mul3A_538 = arith.muli %select_n3A, %mul3A_537 : i32
        %multiple_of3A = tpu.assume_multiple %mul3A_538, 80 : i32
        %add3A_539 = arith.constant 1 : i32
        %add3A_540 = arith.addi %select_n3A_536, %add3A_539 : i32
        %mul3A_541 = arith.constant 128 : i32
        %mul3A_542 = arith.muli %add3A_540, %mul3A_541 : i32
        %multiple_of3A_543 = tpu.assume_multiple %mul3A_542, 128 : i32
        %dma_start3A = arith.constant 7 : i32
        %dma_start3A_544 = arith.constant 0 : i32
        %dma_start3A_545 = arith.constant 0 : i32
        %dma_start3A_546 = tpu.memref_slice %arg7[%dma_start3A, %dma_start3A_544, %dma_start3A_545] : memref<8x80x128xf32, #tpu.memory_space<vmem>> -> memref<1x80x128xf32, #tpu.memory_space<vmem>>
        %dma_start3A_547 = tpu.memref_squeeze %dma_start3A_546 : memref<1x80x128xf32, #tpu.memory_space<vmem>> -> memref<80x128xf32, #tpu.memory_space<vmem>>
        %dma_start3A_548 = tpu.memref_slice %arg5[%multiple_of3A, %multiple_of3A_543] : memref<10000x4224xf32, #tpu.memory_space<hbm>> -> memref<80x128xf32, #tpu.memory_space<hbm>>
        %dma_start3A_549 = tpu.memref_slice %arg5[%multiple_of3A, %multiple_of3A_543] : memref<10000x4224xf32, #tpu.memory_space<hbm>> -> memref<80x128xf32, #tpu.memory_space<hbm>>
        %dma_start3A_550 = arith.constant 0 : i32
        %dma_start3A_551 = arith.constant 0 : i32
        %dma_start3A_552 = tpu.memref_slice %arg7[%dma_start3A, %dma_start3A_550, %dma_start3A_551] : memref<8x80x128xf32, #tpu.memory_space<vmem>> -> memref<1x80x128xf32, #tpu.memory_space<vmem>>
        %dma_start3A_553 = tpu.memref_squeeze %dma_start3A_552 : memref<1x80x128xf32, #tpu.memory_space<vmem>> -> memref<80x128xf32, #tpu.memory_space<vmem>>
        tpu.enqueue_dma source(%dma_start3A_553 : memref<80x128xf32, #tpu.memory_space<vmem>>) target(%dma_start3A_549 : memref<80x128xf32, #tpu.memory_space<hbm>>) target_semaphore(%arg23 : memref<!tpu.dma_semaphore, #tpu.memory_space<semaphore_mem>>)
      } else {
      }
      %add3A_254 = arith.constant 0 : i32
      %add3A_255 = arith.addi %mul3A_142, %add3A_254 : i32
      %ge3A_256 = arith.constant 0 : i32
      %ge3A_257 = arith.cmpi sge, %add3A_255, %ge3A_256 : i32
      %lt3A_258 = arith.constant 128 : i32
      %lt3A_259 = arith.cmpi slt, %add3A_255, %lt3A_258 : i32
      %and3A_260 = arith.andi %ge3A_257, %lt3A_259 : i1
      %add3A_261 = arith.addi %mul3A_2, %add3A_255 : i32
      %lt3A_262 = arith.constant 4000 : i32
      %lt3A_263 = arith.cmpi slt, %add3A_261, %lt3A_262 : i32
      %and3A_264 = arith.andi %and3A_260, %lt3A_263 : i1
      %convert_element_type3A_265 = arith.extui %and3A_264 : i1 to i32
      %cond3A_266 = arith.constant 0 : i32
      %cond3A_267 = arith.cmpi ne, %convert_element_type3A_265, %cond3A_266 : i32
      scf.if %cond3A_267 {
        %add3A_494 = arith.addi %mul3A_2, %add3A_255 : i32
        %jit3A = arith.constant 32 : i32
        %div3A = arith.divsi %add3A_494, %jit3A : i32
        %sign3A = arith.constant 0 : i32
        %sign3A_495 = arith.cmpi sgt, %add3A_494, %sign3A : i32
        %sign3A_496 = arith.extui %sign3A_495 : i1 to i32
        %sign3A_497 = arith.constant 0 : i32
        %sign3A_498 = arith.cmpi slt, %add3A_494, %sign3A_497 : i32
        %sign3A_499 = arith.extui %sign3A_498 : i1 to i32
        %sign3A_500 = arith.subi %sign3A_496, %sign3A_499 : i32
        %sign3A_501 = arith.constant 0 : i32
        %sign3A_502 = arith.cmpi sgt, %jit3A, %sign3A_501 : i32
        %sign3A_503 = arith.extui %sign3A_502 : i1 to i32
        %sign3A_504 = arith.constant 0 : i32
        %sign3A_505 = arith.cmpi slt, %jit3A, %sign3A_504 : i32
        %sign3A_506 = arith.extui %sign3A_505 : i1 to i32
        %sign3A_507 = arith.subi %sign3A_503, %sign3A_506 : i32
        %ne3A = arith.cmpi ne, %sign3A_500, %sign3A_507 : i32
        %rem3A = arith.remsi %add3A_494, %jit3A : i32
        %ne3A_508 = arith.constant 0 : i32
        %ne3A_509 = arith.cmpi ne, %rem3A, %ne3A_508 : i32
        %and3A_510 = arith.andi %ne3A, %ne3A_509 : i1
        %sub3A = arith.constant 1 : i32
        %sub3A_511 = arith.subi %div3A, %sub3A : i32
        %select_n3A = arith.select %and3A_510, %sub3A_511, %div3A : i32
        %jit3A_512 = arith.constant 32 : i32
        %eq3A = arith.constant 0 : i32
        %eq3A_513 = arith.cmpi eq, %jit3A_512, %eq3A : i32
        %jit3A_514 = arith.constant 1 : i32
        %select_n3A_515 = arith.select %eq3A_513, %jit3A_514, %jit3A_512 : i32
        %rem3A_516 = arith.remsi %add3A_494, %select_n3A_515 : i32
        %ne3A_517 = arith.constant 0 : i32
        %ne3A_518 = arith.cmpi ne, %rem3A_516, %ne3A_517 : i32
        %lt3A_519 = arith.constant 0 : i32
        %lt3A_520 = arith.cmpi slt, %rem3A_516, %lt3A_519 : i32
        %lt3A_521 = arith.constant 0 : i32
        %lt3A_522 = arith.cmpi slt, %select_n3A_515, %lt3A_521 : i32
        %ne3A_523 = arith.xori %lt3A_520, %lt3A_522 : i1
        %and3A_524 = arith.andi %ne3A_523, %ne3A_518 : i1
        %add3A_525 = arith.addi %rem3A_516, %select_n3A_515 : i32
        %select_n3A_526 = arith.select %and3A_524, %add3A_525, %rem3A_516 : i32
        %mul3A_527 = arith.constant 80 : i32
        %mul3A_528 = arith.muli %select_n3A, %mul3A_527 : i32
        %multiple_of3A = tpu.assume_multiple %mul3A_528, 80 : i32
        %add3A_529 = arith.constant 1 : i32
        %add3A_530 = arith.addi %select_n3A_526, %add3A_529 : i32
        %mul3A_531 = arith.constant 128 : i32
        %mul3A_532 = arith.muli %add3A_530, %mul3A_531 : i32
        %multiple_of3A_533 = tpu.assume_multiple %mul3A_532, 128 : i32
        %dma_wait3A = arith.constant 0 : i32
        %dma_wait3A_534 = arith.constant 0 : i32
        %dma_wait3A_535 = arith.constant 0 : i32
        %dma_wait3A_536 = tpu.memref_slice %arg7[%dma_wait3A, %dma_wait3A_534, %dma_wait3A_535] : memref<8x80x128xf32, #tpu.memory_space<vmem>> -> memref<1x80x128xf32, #tpu.memory_space<vmem>>
        %dma_wait3A_537 = tpu.memref_squeeze %dma_wait3A_536 : memref<1x80x128xf32, #tpu.memory_space<vmem>> -> memref<80x128xf32, #tpu.memory_space<vmem>>
        %dma_wait3A_538 = tpu.memref_slice %arg5[%multiple_of3A, %multiple_of3A_533] : memref<10000x4224xf32, #tpu.memory_space<hbm>> -> memref<80x128xf32, #tpu.memory_space<hbm>>
        %dma_wait3A_539 = tpu.memref_slice %arg5[%multiple_of3A, %multiple_of3A_533] : memref<10000x4224xf32, #tpu.memory_space<hbm>> -> memref<80x128xf32, #tpu.memory_space<hbm>>
        %dma_wait3A_540 = arith.constant 0 : i32
        %dma_wait3A_541 = arith.constant 0 : i32
        %dma_wait3A_542 = tpu.memref_slice %arg7[%dma_wait3A, %dma_wait3A_540, %dma_wait3A_541] : memref<8x80x128xf32, #tpu.memory_space<vmem>> -> memref<1x80x128xf32, #tpu.memory_space<vmem>>
        %dma_wait3A_543 = tpu.memref_squeeze %dma_wait3A_542 : memref<1x80x128xf32, #tpu.memory_space<vmem>> -> memref<80x128xf32, #tpu.memory_space<vmem>>
        tpu.wait_dma2 semaphore(%arg16 : memref<!tpu.dma_semaphore, #tpu.memory_space<semaphore_mem>>) src(%dma_wait3A_543 : memref<80x128xf32, #tpu.memory_space<vmem>>) dst(%dma_wait3A_539 : memref<80x128xf32, #tpu.memory_space<hbm>>)
      } else {
      }
      %add3A_268 = arith.constant 0 : i32
      %add3A_269 = arith.addi %mul3A_142, %add3A_268 : i32
      %add3A_270 = arith.constant 8 : i32
      %add3A_271 = arith.addi %add3A_269, %add3A_270 : i32
      %ge3A_272 = arith.constant 0 : i32
      %ge3A_273 = arith.cmpi sge, %add3A_271, %ge3A_272 : i32
      %lt3A_274 = arith.constant 128 : i32
      %lt3A_275 = arith.cmpi slt, %add3A_271, %lt3A_274 : i32
      %and3A_276 = arith.andi %ge3A_273, %lt3A_275 : i1
      %add3A_277 = arith.addi %mul3A_2, %add3A_271 : i32
      %lt3A_278 = arith.constant 4000 : i32
      %lt3A_279 = arith.cmpi slt, %add3A_277, %lt3A_278 : i32
      %and3A_280 = arith.andi %and3A_276, %lt3A_279 : i1
      %convert_element_type3A_281 = arith.extui %and3A_280 : i1 to i32
      %cond3A_282 = arith.constant 0 : i32
      %cond3A_283 = arith.cmpi ne, %convert_element_type3A_281, %cond3A_282 : i32
      scf.if %cond3A_283 {
        %dma_start3A = arith.constant 0 : i32
        %dma_start3A_494 = arith.constant 0 : i32
        %dma_start3A_495 = arith.constant 0 : i32
        %dma_start3A_496 = tpu.memref_slice %arg7[%dma_start3A, %dma_start3A_494, %dma_start3A_495] : memref<8x80x128xf32, #tpu.memory_space<vmem>> -> memref<1x80x128xf32, #tpu.memory_space<vmem>>
        %dma_start3A_497 = tpu.memref_squeeze %dma_start3A_496 : memref<1x80x128xf32, #tpu.memory_space<vmem>> -> memref<80x128xf32, #tpu.memory_space<vmem>>
        %dma_start3A_498 = arith.constant 0 : i32
        %dma_start3A_499 = tpu.memref_slice %arg6[%add3A_271, %dma_start3A_498] : memref<128x80xi32, #tpu.memory_space<vmem>> -> memref<1x80xi32, #tpu.memory_space<vmem>>
        %dma_start3A_500 = tpu.memref_squeeze %dma_start3A_499 : memref<1x80xi32, #tpu.memory_space<vmem>> -> memref<80xi32, #tpu.memory_space<vmem>>
        %dma_start3A_501 = arith.constant 0 : i32
        %dma_start3A_502 = arith.constant 0 : i32
        %dma_start3A_503 = tpu.memref_slice %arg2[%dma_start3A_501, %dma_start3A_502] : memref<10000x128xf32, #tpu.memory_space<hbm>> -> memref<10000x128xf32, #tpu.memory_space<hbm>>
        tpu.enqueue_indirect_dma source(%dma_start3A_503 : memref<10000x128xf32, #tpu.memory_space<hbm>>) target(%dma_start3A_497 : memref<80x128xf32, #tpu.memory_space<vmem>>) offsets(%dma_start3A_500 : memref<80xi32, #tpu.memory_space<vmem>>) semaphore(%arg8 : memref<!tpu.dma_semaphore, #tpu.memory_space<semaphore_mem>>)
      } else {
      }
      %add3A_284 = arith.constant 1 : i32
      %add3A_285 = arith.addi %mul3A_142, %add3A_284 : i32
      %ge3A_286 = arith.constant 0 : i32
      %ge3A_287 = arith.cmpi sge, %add3A_285, %ge3A_286 : i32
      %lt3A_288 = arith.constant 128 : i32
      %lt3A_289 = arith.cmpi slt, %add3A_285, %lt3A_288 : i32
      %and3A_290 = arith.andi %ge3A_287, %lt3A_289 : i1
      %add3A_291 = arith.addi %mul3A_2, %add3A_285 : i32
      %lt3A_292 = arith.constant 4000 : i32
      %lt3A_293 = arith.cmpi slt, %add3A_291, %lt3A_292 : i32
      %and3A_294 = arith.andi %and3A_290, %lt3A_293 : i1
      %convert_element_type3A_295 = arith.extui %and3A_294 : i1 to i32
      %cond3A_296 = arith.constant 0 : i32
      %cond3A_297 = arith.cmpi ne, %convert_element_type3A_295, %cond3A_296 : i32
      scf.if %cond3A_297 {
        %add3A_494 = arith.addi %mul3A_2, %add3A_285 : i32
        %jit3A = arith.constant 32 : i32
        %div3A = arith.divsi %add3A_494, %jit3A : i32
        %sign3A = arith.constant 0 : i32
        %sign3A_495 = arith.cmpi sgt, %add3A_494, %sign3A : i32
        %sign3A_496 = arith.extui %sign3A_495 : i1 to i32
        %sign3A_497 = arith.constant 0 : i32
        %sign3A_498 = arith.cmpi slt, %add3A_494, %sign3A_497 : i32
        %sign3A_499 = arith.extui %sign3A_498 : i1 to i32
        %sign3A_500 = arith.subi %sign3A_496, %sign3A_499 : i32
        %sign3A_501 = arith.constant 0 : i32
        %sign3A_502 = arith.cmpi sgt, %jit3A, %sign3A_501 : i32
        %sign3A_503 = arith.extui %sign3A_502 : i1 to i32
        %sign3A_504 = arith.constant 0 : i32
        %sign3A_505 = arith.cmpi slt, %jit3A, %sign3A_504 : i32
        %sign3A_506 = arith.extui %sign3A_505 : i1 to i32
        %sign3A_507 = arith.subi %sign3A_503, %sign3A_506 : i32
        %ne3A = arith.cmpi ne, %sign3A_500, %sign3A_507 : i32
        %rem3A = arith.remsi %add3A_494, %jit3A : i32
        %ne3A_508 = arith.constant 0 : i32
        %ne3A_509 = arith.cmpi ne, %rem3A, %ne3A_508 : i32
        %and3A_510 = arith.andi %ne3A, %ne3A_509 : i1
        %sub3A = arith.constant 1 : i32
        %sub3A_511 = arith.subi %div3A, %sub3A : i32
        %select_n3A = arith.select %and3A_510, %sub3A_511, %div3A : i32
        %jit3A_512 = arith.constant 32 : i32
        %eq3A = arith.constant 0 : i32
        %eq3A_513 = arith.cmpi eq, %jit3A_512, %eq3A : i32
        %jit3A_514 = arith.constant 1 : i32
        %select_n3A_515 = arith.select %eq3A_513, %jit3A_514, %jit3A_512 : i32
        %rem3A_516 = arith.remsi %add3A_494, %select_n3A_515 : i32
        %ne3A_517 = arith.constant 0 : i32
        %ne3A_518 = arith.cmpi ne, %rem3A_516, %ne3A_517 : i32
        %lt3A_519 = arith.constant 0 : i32
        %lt3A_520 = arith.cmpi slt, %rem3A_516, %lt3A_519 : i32
        %lt3A_521 = arith.constant 0 : i32
        %lt3A_522 = arith.cmpi slt, %select_n3A_515, %lt3A_521 : i32
        %ne3A_523 = arith.xori %lt3A_520, %lt3A_522 : i1
        %and3A_524 = arith.andi %ne3A_523, %ne3A_518 : i1
        %add3A_525 = arith.addi %rem3A_516, %select_n3A_515 : i32
        %select_n3A_526 = arith.select %and3A_524, %add3A_525, %rem3A_516 : i32
        %mul3A_527 = arith.constant 80 : i32
        %mul3A_528 = arith.muli %select_n3A, %mul3A_527 : i32
        %multiple_of3A = tpu.assume_multiple %mul3A_528, 80 : i32
        %add3A_529 = arith.constant 1 : i32
        %add3A_530 = arith.addi %select_n3A_526, %add3A_529 : i32
        %mul3A_531 = arith.constant 128 : i32
        %mul3A_532 = arith.muli %add3A_530, %mul3A_531 : i32
        %multiple_of3A_533 = tpu.assume_multiple %mul3A_532, 128 : i32
        %dma_wait3A = arith.constant 1 : i32
        %dma_wait3A_534 = arith.constant 0 : i32
        %dma_wait3A_535 = arith.constant 0 : i32
        %dma_wait3A_536 = tpu.memref_slice %arg7[%dma_wait3A, %dma_wait3A_534, %dma_wait3A_535] : memref<8x80x128xf32, #tpu.memory_space<vmem>> -> memref<1x80x128xf32, #tpu.memory_space<vmem>>
        %dma_wait3A_537 = tpu.memref_squeeze %dma_wait3A_536 : memref<1x80x128xf32, #tpu.memory_space<vmem>> -> memref<80x128xf32, #tpu.memory_space<vmem>>
        %dma_wait3A_538 = tpu.memref_slice %arg5[%multiple_of3A, %multiple_of3A_533] : memref<10000x4224xf32, #tpu.memory_space<hbm>> -> memref<80x128xf32, #tpu.memory_space<hbm>>
        %dma_wait3A_539 = tpu.memref_slice %arg5[%multiple_of3A, %multiple_of3A_533] : memref<10000x4224xf32, #tpu.memory_space<hbm>> -> memref<80x128xf32, #tpu.memory_space<hbm>>
        %dma_wait3A_540 = arith.constant 0 : i32
        %dma_wait3A_541 = arith.constant 0 : i32
        %dma_wait3A_542 = tpu.memref_slice %arg7[%dma_wait3A, %dma_wait3A_540, %dma_wait3A_541] : memref<8x80x128xf32, #tpu.memory_space<vmem>> -> memref<1x80x128xf32, #tpu.memory_space<vmem>>
        %dma_wait3A_543 = tpu.memref_squeeze %dma_wait3A_542 : memref<1x80x128xf32, #tpu.memory_space<vmem>> -> memref<80x128xf32, #tpu.memory_space<vmem>>
        tpu.wait_dma2 semaphore(%arg17 : memref<!tpu.dma_semaphore, #tpu.memory_space<semaphore_mem>>) src(%dma_wait3A_543 : memref<80x128xf32, #tpu.memory_space<vmem>>) dst(%dma_wait3A_539 : memref<80x128xf32, #tpu.memory_space<hbm>>)
      } else {
      }
      %add3A_298 = arith.constant 1 : i32
      %add3A_299 = arith.addi %mul3A_142, %add3A_298 : i32
      %add3A_300 = arith.constant 8 : i32
      %add3A_301 = arith.addi %add3A_299, %add3A_300 : i32
      %ge3A_302 = arith.constant 0 : i32
      %ge3A_303 = arith.cmpi sge, %add3A_301, %ge3A_302 : i32
      %lt3A_304 = arith.constant 128 : i32
      %lt3A_305 = arith.cmpi slt, %add3A_301, %lt3A_304 : i32
      %and3A_306 = arith.andi %ge3A_303, %lt3A_305 : i1
      %add3A_307 = arith.addi %mul3A_2, %add3A_301 : i32
      %lt3A_308 = arith.constant 4000 : i32
      %lt3A_309 = arith.cmpi slt, %add3A_307, %lt3A_308 : i32
      %and3A_310 = arith.andi %and3A_306, %lt3A_309 : i1
      %convert_element_type3A_311 = arith.extui %and3A_310 : i1 to i32
      %cond3A_312 = arith.constant 0 : i32
      %cond3A_313 = arith.cmpi ne, %convert_element_type3A_311, %cond3A_312 : i32
      scf.if %cond3A_313 {
        %dma_start3A = arith.constant 1 : i32
        %dma_start3A_494 = arith.constant 0 : i32
        %dma_start3A_495 = arith.constant 0 : i32
        %dma_start3A_496 = tpu.memref_slice %arg7[%dma_start3A, %dma_start3A_494, %dma_start3A_495] : memref<8x80x128xf32, #tpu.memory_space<vmem>> -> memref<1x80x128xf32, #tpu.memory_space<vmem>>
        %dma_start3A_497 = tpu.memref_squeeze %dma_start3A_496 : memref<1x80x128xf32, #tpu.memory_space<vmem>> -> memref<80x128xf32, #tpu.memory_space<vmem>>
        %dma_start3A_498 = arith.constant 0 : i32
        %dma_start3A_499 = tpu.memref_slice %arg6[%add3A_301, %dma_start3A_498] : memref<128x80xi32, #tpu.memory_space<vmem>> -> memref<1x80xi32, #tpu.memory_space<vmem>>
        %dma_start3A_500 = tpu.memref_squeeze %dma_start3A_499 : memref<1x80xi32, #tpu.memory_space<vmem>> -> memref<80xi32, #tpu.memory_space<vmem>>
        %dma_start3A_501 = arith.constant 0 : i32
        %dma_start3A_502 = arith.constant 0 : i32
        %dma_start3A_503 = tpu.memref_slice %arg2[%dma_start3A_501, %dma_start3A_502] : memref<10000x128xf32, #tpu.memory_space<hbm>> -> memref<10000x128xf32, #tpu.memory_space<hbm>>
        tpu.enqueue_indirect_dma source(%dma_start3A_503 : memref<10000x128xf32, #tpu.memory_space<hbm>>) target(%dma_start3A_497 : memref<80x128xf32, #tpu.memory_space<vmem>>) offsets(%dma_start3A_500 : memref<80xi32, #tpu.memory_space<vmem>>) semaphore(%arg9 : memref<!tpu.dma_semaphore, #tpu.memory_space<semaphore_mem>>)
      } else {
      }
      %add3A_314 = arith.constant 2 : i32
      %add3A_315 = arith.addi %mul3A_142, %add3A_314 : i32
      %ge3A_316 = arith.constant 0 : i32
      %ge3A_317 = arith.cmpi sge, %add3A_315, %ge3A_316 : i32
      %lt3A_318 = arith.constant 128 : i32
      %lt3A_319 = arith.cmpi slt, %add3A_315, %lt3A_318 : i32
      %and3A_320 = arith.andi %ge3A_317, %lt3A_319 : i1
      %add3A_321 = arith.addi %mul3A_2, %add3A_315 : i32
      %lt3A_322 = arith.constant 4000 : i32
      %lt3A_323 = arith.cmpi slt, %add3A_321, %lt3A_322 : i32
      %and3A_324 = arith.andi %and3A_320, %lt3A_323 : i1
      %convert_element_type3A_325 = arith.extui %and3A_324 : i1 to i32
      %cond3A_326 = arith.constant 0 : i32
      %cond3A_327 = arith.cmpi ne, %convert_element_type3A_325, %cond3A_326 : i32
      scf.if %cond3A_327 {
        %add3A_494 = arith.addi %mul3A_2, %add3A_315 : i32
        %jit3A = arith.constant 32 : i32
        %div3A = arith.divsi %add3A_494, %jit3A : i32
        %sign3A = arith.constant 0 : i32
        %sign3A_495 = arith.cmpi sgt, %add3A_494, %sign3A : i32
        %sign3A_496 = arith.extui %sign3A_495 : i1 to i32
        %sign3A_497 = arith.constant 0 : i32
        %sign3A_498 = arith.cmpi slt, %add3A_494, %sign3A_497 : i32
        %sign3A_499 = arith.extui %sign3A_498 : i1 to i32
        %sign3A_500 = arith.subi %sign3A_496, %sign3A_499 : i32
        %sign3A_501 = arith.constant 0 : i32
        %sign3A_502 = arith.cmpi sgt, %jit3A, %sign3A_501 : i32
        %sign3A_503 = arith.extui %sign3A_502 : i1 to i32
        %sign3A_504 = arith.constant 0 : i32
        %sign3A_505 = arith.cmpi slt, %jit3A, %sign3A_504 : i32
        %sign3A_506 = arith.extui %sign3A_505 : i1 to i32
        %sign3A_507 = arith.subi %sign3A_503, %sign3A_506 : i32
        %ne3A = arith.cmpi ne, %sign3A_500, %sign3A_507 : i32
        %rem3A = arith.remsi %add3A_494, %jit3A : i32
        %ne3A_508 = arith.constant 0 : i32
        %ne3A_509 = arith.cmpi ne, %rem3A, %ne3A_508 : i32
        %and3A_510 = arith.andi %ne3A, %ne3A_509 : i1
        %sub3A = arith.constant 1 : i32
        %sub3A_511 = arith.subi %div3A, %sub3A : i32
        %select_n3A = arith.select %and3A_510, %sub3A_511, %div3A : i32
        %jit3A_512 = arith.constant 32 : i32
        %eq3A = arith.constant 0 : i32
        %eq3A_513 = arith.cmpi eq, %jit3A_512, %eq3A : i32
        %jit3A_514 = arith.constant 1 : i32
        %select_n3A_515 = arith.select %eq3A_513, %jit3A_514, %jit3A_512 : i32
        %rem3A_516 = arith.remsi %add3A_494, %select_n3A_515 : i32
        %ne3A_517 = arith.constant 0 : i32
        %ne3A_518 = arith.cmpi ne, %rem3A_516, %ne3A_517 : i32
        %lt3A_519 = arith.constant 0 : i32
        %lt3A_520 = arith.cmpi slt, %rem3A_516, %lt3A_519 : i32
        %lt3A_521 = arith.constant 0 : i32
        %lt3A_522 = arith.cmpi slt, %select_n3A_515, %lt3A_521 : i32
        %ne3A_523 = arith.xori %lt3A_520, %lt3A_522 : i1
        %and3A_524 = arith.andi %ne3A_523, %ne3A_518 : i1
        %add3A_525 = arith.addi %rem3A_516, %select_n3A_515 : i32
        %select_n3A_526 = arith.select %and3A_524, %add3A_525, %rem3A_516 : i32
        %mul3A_527 = arith.constant 80 : i32
        %mul3A_528 = arith.muli %select_n3A, %mul3A_527 : i32
        %multiple_of3A = tpu.assume_multiple %mul3A_528, 80 : i32
        %add3A_529 = arith.constant 1 : i32
        %add3A_530 = arith.addi %select_n3A_526, %add3A_529 : i32
        %mul3A_531 = arith.constant 128 : i32
        %mul3A_532 = arith.muli %add3A_530, %mul3A_531 : i32
        %multiple_of3A_533 = tpu.assume_multiple %mul3A_532, 128 : i32
        %dma_wait3A = arith.constant 2 : i32
        %dma_wait3A_534 = arith.constant 0 : i32
        %dma_wait3A_535 = arith.constant 0 : i32
        %dma_wait3A_536 = tpu.memref_slice %arg7[%dma_wait3A, %dma_wait3A_534, %dma_wait3A_535] : memref<8x80x128xf32, #tpu.memory_space<vmem>> -> memref<1x80x128xf32, #tpu.memory_space<vmem>>
        %dma_wait3A_537 = tpu.memref_squeeze %dma_wait3A_536 : memref<1x80x128xf32, #tpu.memory_space<vmem>> -> memref<80x128xf32, #tpu.memory_space<vmem>>
        %dma_wait3A_538 = tpu.memref_slice %arg5[%multiple_of3A, %multiple_of3A_533] : memref<10000x4224xf32, #tpu.memory_space<hbm>> -> memref<80x128xf32, #tpu.memory_space<hbm>>
        %dma_wait3A_539 = tpu.memref_slice %arg5[%multiple_of3A, %multiple_of3A_533] : memref<10000x4224xf32, #tpu.memory_space<hbm>> -> memref<80x128xf32, #tpu.memory_space<hbm>>
        %dma_wait3A_540 = arith.constant 0 : i32
        %dma_wait3A_541 = arith.constant 0 : i32
        %dma_wait3A_542 = tpu.memref_slice %arg7[%dma_wait3A, %dma_wait3A_540, %dma_wait3A_541] : memref<8x80x128xf32, #tpu.memory_space<vmem>> -> memref<1x80x128xf32, #tpu.memory_space<vmem>>
        %dma_wait3A_543 = tpu.memref_squeeze %dma_wait3A_542 : memref<1x80x128xf32, #tpu.memory_space<vmem>> -> memref<80x128xf32, #tpu.memory_space<vmem>>
        tpu.wait_dma2 semaphore(%arg18 : memref<!tpu.dma_semaphore, #tpu.memory_space<semaphore_mem>>) src(%dma_wait3A_543 : memref<80x128xf32, #tpu.memory_space<vmem>>) dst(%dma_wait3A_539 : memref<80x128xf32, #tpu.memory_space<hbm>>)
      } else {
      }
      %add3A_328 = arith.constant 2 : i32
      %add3A_329 = arith.addi %mul3A_142, %add3A_328 : i32
      %add3A_330 = arith.constant 8 : i32
      %add3A_331 = arith.addi %add3A_329, %add3A_330 : i32
      %ge3A_332 = arith.constant 0 : i32
      %ge3A_333 = arith.cmpi sge, %add3A_331, %ge3A_332 : i32
      %lt3A_334 = arith.constant 128 : i32
      %lt3A_335 = arith.cmpi slt, %add3A_331, %lt3A_334 : i32
      %and3A_336 = arith.andi %ge3A_333, %lt3A_335 : i1
      %add3A_337 = arith.addi %mul3A_2, %add3A_331 : i32
      %lt3A_338 = arith.constant 4000 : i32
      %lt3A_339 = arith.cmpi slt, %add3A_337, %lt3A_338 : i32
      %and3A_340 = arith.andi %and3A_336, %lt3A_339 : i1
      %convert_element_type3A_341 = arith.extui %and3A_340 : i1 to i32
      %cond3A_342 = arith.constant 0 : i32
      %cond3A_343 = arith.cmpi ne, %convert_element_type3A_341, %cond3A_342 : i32
      scf.if %cond3A_343 {
        %dma_start3A = arith.constant 2 : i32
        %dma_start3A_494 = arith.constant 0 : i32
        %dma_start3A_495 = arith.constant 0 : i32
        %dma_start3A_496 = tpu.memref_slice %arg7[%dma_start3A, %dma_start3A_494, %dma_start3A_495] : memref<8x80x128xf32, #tpu.memory_space<vmem>> -> memref<1x80x128xf32, #tpu.memory_space<vmem>>
        %dma_start3A_497 = tpu.memref_squeeze %dma_start3A_496 : memref<1x80x128xf32, #tpu.memory_space<vmem>> -> memref<80x128xf32, #tpu.memory_space<vmem>>
        %dma_start3A_498 = arith.constant 0 : i32
        %dma_start3A_499 = tpu.memref_slice %arg6[%add3A_331, %dma_start3A_498] : memref<128x80xi32, #tpu.memory_space<vmem>> -> memref<1x80xi32, #tpu.memory_space<vmem>>
        %dma_start3A_500 = tpu.memref_squeeze %dma_start3A_499 : memref<1x80xi32, #tpu.memory_space<vmem>> -> memref<80xi32, #tpu.memory_space<vmem>>
        %dma_start3A_501 = arith.constant 0 : i32
        %dma_start3A_502 = arith.constant 0 : i32
        %dma_start3A_503 = tpu.memref_slice %arg2[%dma_start3A_501, %dma_start3A_502] : memref<10000x128xf32, #tpu.memory_space<hbm>> -> memref<10000x128xf32, #tpu.memory_space<hbm>>
        tpu.enqueue_indirect_dma source(%dma_start3A_503 : memref<10000x128xf32, #tpu.memory_space<hbm>>) target(%dma_start3A_497 : memref<80x128xf32, #tpu.memory_space<vmem>>) offsets(%dma_start3A_500 : memref<80xi32, #tpu.memory_space<vmem>>) semaphore(%arg10 : memref<!tpu.dma_semaphore, #tpu.memory_space<semaphore_mem>>)
      } else {
      }
      %add3A_344 = arith.constant 3 : i32
      %add3A_345 = arith.addi %mul3A_142, %add3A_344 : i32
      %ge3A_346 = arith.constant 0 : i32
      %ge3A_347 = arith.cmpi sge, %add3A_345, %ge3A_346 : i32
      %lt3A_348 = arith.constant 128 : i32
      %lt3A_349 = arith.cmpi slt, %add3A_345, %lt3A_348 : i32
      %and3A_350 = arith.andi %ge3A_347, %lt3A_349 : i1
      %add3A_351 = arith.addi %mul3A_2, %add3A_345 : i32
      %lt3A_352 = arith.constant 4000 : i32
      %lt3A_353 = arith.cmpi slt, %add3A_351, %lt3A_352 : i32
      %and3A_354 = arith.andi %and3A_350, %lt3A_353 : i1
      %convert_element_type3A_355 = arith.extui %and3A_354 : i1 to i32
      %cond3A_356 = arith.constant 0 : i32
      %cond3A_357 = arith.cmpi ne, %convert_element_type3A_355, %cond3A_356 : i32
      scf.if %cond3A_357 {
        %add3A_494 = arith.addi %mul3A_2, %add3A_345 : i32
        %jit3A = arith.constant 32 : i32
        %div3A = arith.divsi %add3A_494, %jit3A : i32
        %sign3A = arith.constant 0 : i32
        %sign3A_495 = arith.cmpi sgt, %add3A_494, %sign3A : i32
        %sign3A_496 = arith.extui %sign3A_495 : i1 to i32
        %sign3A_497 = arith.constant 0 : i32
        %sign3A_498 = arith.cmpi slt, %add3A_494, %sign3A_497 : i32
        %sign3A_499 = arith.extui %sign3A_498 : i1 to i32
        %sign3A_500 = arith.subi %sign3A_496, %sign3A_499 : i32
        %sign3A_501 = arith.constant 0 : i32
        %sign3A_502 = arith.cmpi sgt, %jit3A, %sign3A_501 : i32
        %sign3A_503 = arith.extui %sign3A_502 : i1 to i32
        %sign3A_504 = arith.constant 0 : i32
        %sign3A_505 = arith.cmpi slt, %jit3A, %sign3A_504 : i32
        %sign3A_506 = arith.extui %sign3A_505 : i1 to i32
        %sign3A_507 = arith.subi %sign3A_503, %sign3A_506 : i32
        %ne3A = arith.cmpi ne, %sign3A_500, %sign3A_507 : i32
        %rem3A = arith.remsi %add3A_494, %jit3A : i32
        %ne3A_508 = arith.constant 0 : i32
        %ne3A_509 = arith.cmpi ne, %rem3A, %ne3A_508 : i32
        %and3A_510 = arith.andi %ne3A, %ne3A_509 : i1
        %sub3A = arith.constant 1 : i32
        %sub3A_511 = arith.subi %div3A, %sub3A : i32
        %select_n3A = arith.select %and3A_510, %sub3A_511, %div3A : i32
        %jit3A_512 = arith.constant 32 : i32
        %eq3A = arith.constant 0 : i32
        %eq3A_513 = arith.cmpi eq, %jit3A_512, %eq3A : i32
        %jit3A_514 = arith.constant 1 : i32
        %select_n3A_515 = arith.select %eq3A_513, %jit3A_514, %jit3A_512 : i32
        %rem3A_516 = arith.remsi %add3A_494, %select_n3A_515 : i32
        %ne3A_517 = arith.constant 0 : i32
        %ne3A_518 = arith.cmpi ne, %rem3A_516, %ne3A_517 : i32
        %lt3A_519 = arith.constant 0 : i32
        %lt3A_520 = arith.cmpi slt, %rem3A_516, %lt3A_519 : i32
        %lt3A_521 = arith.constant 0 : i32
        %lt3A_522 = arith.cmpi slt, %select_n3A_515, %lt3A_521 : i32
        %ne3A_523 = arith.xori %lt3A_520, %lt3A_522 : i1
        %and3A_524 = arith.andi %ne3A_523, %ne3A_518 : i1
        %add3A_525 = arith.addi %rem3A_516, %select_n3A_515 : i32
        %select_n3A_526 = arith.select %and3A_524, %add3A_525, %rem3A_516 : i32
        %mul3A_527 = arith.constant 80 : i32
        %mul3A_528 = arith.muli %select_n3A, %mul3A_527 : i32
        %multiple_of3A = tpu.assume_multiple %mul3A_528, 80 : i32
        %add3A_529 = arith.constant 1 : i32
        %add3A_530 = arith.addi %select_n3A_526, %add3A_529 : i32
        %mul3A_531 = arith.constant 128 : i32
        %mul3A_532 = arith.muli %add3A_530, %mul3A_531 : i32
        %multiple_of3A_533 = tpu.assume_multiple %mul3A_532, 128 : i32
        %dma_wait3A = arith.constant 3 : i32
        %dma_wait3A_534 = arith.constant 0 : i32
        %dma_wait3A_535 = arith.constant 0 : i32
        %dma_wait3A_536 = tpu.memref_slice %arg7[%dma_wait3A, %dma_wait3A_534, %dma_wait3A_535] : memref<8x80x128xf32, #tpu.memory_space<vmem>> -> memref<1x80x128xf32, #tpu.memory_space<vmem>>
        %dma_wait3A_537 = tpu.memref_squeeze %dma_wait3A_536 : memref<1x80x128xf32, #tpu.memory_space<vmem>> -> memref<80x128xf32, #tpu.memory_space<vmem>>
        %dma_wait3A_538 = tpu.memref_slice %arg5[%multiple_of3A, %multiple_of3A_533] : memref<10000x4224xf32, #tpu.memory_space<hbm>> -> memref<80x128xf32, #tpu.memory_space<hbm>>
        %dma_wait3A_539 = tpu.memref_slice %arg5[%multiple_of3A, %multiple_of3A_533] : memref<10000x4224xf32, #tpu.memory_space<hbm>> -> memref<80x128xf32, #tpu.memory_space<hbm>>
        %dma_wait3A_540 = arith.constant 0 : i32
        %dma_wait3A_541 = arith.constant 0 : i32
        %dma_wait3A_542 = tpu.memref_slice %arg7[%dma_wait3A, %dma_wait3A_540, %dma_wait3A_541] : memref<8x80x128xf32, #tpu.memory_space<vmem>> -> memref<1x80x128xf32, #tpu.memory_space<vmem>>
        %dma_wait3A_543 = tpu.memref_squeeze %dma_wait3A_542 : memref<1x80x128xf32, #tpu.memory_space<vmem>> -> memref<80x128xf32, #tpu.memory_space<vmem>>
        tpu.wait_dma2 semaphore(%arg19 : memref<!tpu.dma_semaphore, #tpu.memory_space<semaphore_mem>>) src(%dma_wait3A_543 : memref<80x128xf32, #tpu.memory_space<vmem>>) dst(%dma_wait3A_539 : memref<80x128xf32, #tpu.memory_space<hbm>>)
      } else {
      }
      %add3A_358 = arith.constant 3 : i32
      %add3A_359 = arith.addi %mul3A_142, %add3A_358 : i32
      %add3A_360 = arith.constant 8 : i32
      %add3A_361 = arith.addi %add3A_359, %add3A_360 : i32
      %ge3A_362 = arith.constant 0 : i32
      %ge3A_363 = arith.cmpi sge, %add3A_361, %ge3A_362 : i32
      %lt3A_364 = arith.constant 128 : i32
      %lt3A_365 = arith.cmpi slt, %add3A_361, %lt3A_364 : i32
      %and3A_366 = arith.andi %ge3A_363, %lt3A_365 : i1
      %add3A_367 = arith.addi %mul3A_2, %add3A_361 : i32
      %lt3A_368 = arith.constant 4000 : i32
      %lt3A_369 = arith.cmpi slt, %add3A_367, %lt3A_368 : i32
      %and3A_370 = arith.andi %and3A_366, %lt3A_369 : i1
      %convert_element_type3A_371 = arith.extui %and3A_370 : i1 to i32
      %cond3A_372 = arith.constant 0 : i32
      %cond3A_373 = arith.cmpi ne, %convert_element_type3A_371, %cond3A_372 : i32
      scf.if %cond3A_373 {
        %dma_start3A = arith.constant 3 : i32
        %dma_start3A_494 = arith.constant 0 : i32
        %dma_start3A_495 = arith.constant 0 : i32
        %dma_start3A_496 = tpu.memref_slice %arg7[%dma_start3A, %dma_start3A_494, %dma_start3A_495] : memref<8x80x128xf32, #tpu.memory_space<vmem>> -> memref<1x80x128xf32, #tpu.memory_space<vmem>>
        %dma_start3A_497 = tpu.memref_squeeze %dma_start3A_496 : memref<1x80x128xf32, #tpu.memory_space<vmem>> -> memref<80x128xf32, #tpu.memory_space<vmem>>
        %dma_start3A_498 = arith.constant 0 : i32
        %dma_start3A_499 = tpu.memref_slice %arg6[%add3A_361, %dma_start3A_498] : memref<128x80xi32, #tpu.memory_space<vmem>> -> memref<1x80xi32, #tpu.memory_space<vmem>>
        %dma_start3A_500 = tpu.memref_squeeze %dma_start3A_499 : memref<1x80xi32, #tpu.memory_space<vmem>> -> memref<80xi32, #tpu.memory_space<vmem>>
        %dma_start3A_501 = arith.constant 0 : i32
        %dma_start3A_502 = arith.constant 0 : i32
        %dma_start3A_503 = tpu.memref_slice %arg2[%dma_start3A_501, %dma_start3A_502] : memref<10000x128xf32, #tpu.memory_space<hbm>> -> memref<10000x128xf32, #tpu.memory_space<hbm>>
        tpu.enqueue_indirect_dma source(%dma_start3A_503 : memref<10000x128xf32, #tpu.memory_space<hbm>>) target(%dma_start3A_497 : memref<80x128xf32, #tpu.memory_space<vmem>>) offsets(%dma_start3A_500 : memref<80xi32, #tpu.memory_space<vmem>>) semaphore(%arg11 : memref<!tpu.dma_semaphore, #tpu.memory_space<semaphore_mem>>)
      } else {
      }
      %add3A_374 = arith.constant 4 : i32
      %add3A_375 = arith.addi %mul3A_142, %add3A_374 : i32
      %ge3A_376 = arith.constant 0 : i32
      %ge3A_377 = arith.cmpi sge, %add3A_375, %ge3A_376 : i32
      %lt3A_378 = arith.constant 128 : i32
      %lt3A_379 = arith.cmpi slt, %add3A_375, %lt3A_378 : i32
      %and3A_380 = arith.andi %ge3A_377, %lt3A_379 : i1
      %add3A_381 = arith.addi %mul3A_2, %add3A_375 : i32
      %lt3A_382 = arith.constant 4000 : i32
      %lt3A_383 = arith.cmpi slt, %add3A_381, %lt3A_382 : i32
      %and3A_384 = arith.andi %and3A_380, %lt3A_383 : i1
      %convert_element_type3A_385 = arith.extui %and3A_384 : i1 to i32
      %cond3A_386 = arith.constant 0 : i32
      %cond3A_387 = arith.cmpi ne, %convert_element_type3A_385, %cond3A_386 : i32
      scf.if %cond3A_387 {
        %add3A_494 = arith.addi %mul3A_2, %add3A_375 : i32
        %jit3A = arith.constant 32 : i32
        %div3A = arith.divsi %add3A_494, %jit3A : i32
        %sign3A = arith.constant 0 : i32
        %sign3A_495 = arith.cmpi sgt, %add3A_494, %sign3A : i32
        %sign3A_496 = arith.extui %sign3A_495 : i1 to i32
        %sign3A_497 = arith.constant 0 : i32
        %sign3A_498 = arith.cmpi slt, %add3A_494, %sign3A_497 : i32
        %sign3A_499 = arith.extui %sign3A_498 : i1 to i32
        %sign3A_500 = arith.subi %sign3A_496, %sign3A_499 : i32
        %sign3A_501 = arith.constant 0 : i32
        %sign3A_502 = arith.cmpi sgt, %jit3A, %sign3A_501 : i32
        %sign3A_503 = arith.extui %sign3A_502 : i1 to i32
        %sign3A_504 = arith.constant 0 : i32
        %sign3A_505 = arith.cmpi slt, %jit3A, %sign3A_504 : i32
        %sign3A_506 = arith.extui %sign3A_505 : i1 to i32
        %sign3A_507 = arith.subi %sign3A_503, %sign3A_506 : i32
        %ne3A = arith.cmpi ne, %sign3A_500, %sign3A_507 : i32
        %rem3A = arith.remsi %add3A_494, %jit3A : i32
        %ne3A_508 = arith.constant 0 : i32
        %ne3A_509 = arith.cmpi ne, %rem3A, %ne3A_508 : i32
        %and3A_510 = arith.andi %ne3A, %ne3A_509 : i1
        %sub3A = arith.constant 1 : i32
        %sub3A_511 = arith.subi %div3A, %sub3A : i32
        %select_n3A = arith.select %and3A_510, %sub3A_511, %div3A : i32
        %jit3A_512 = arith.constant 32 : i32
        %eq3A = arith.constant 0 : i32
        %eq3A_513 = arith.cmpi eq, %jit3A_512, %eq3A : i32
        %jit3A_514 = arith.constant 1 : i32
        %select_n3A_515 = arith.select %eq3A_513, %jit3A_514, %jit3A_512 : i32
        %rem3A_516 = arith.remsi %add3A_494, %select_n3A_515 : i32
        %ne3A_517 = arith.constant 0 : i32
        %ne3A_518 = arith.cmpi ne, %rem3A_516, %ne3A_517 : i32
        %lt3A_519 = arith.constant 0 : i32
        %lt3A_520 = arith.cmpi slt, %rem3A_516, %lt3A_519 : i32
        %lt3A_521 = arith.constant 0 : i32
        %lt3A_522 = arith.cmpi slt, %select_n3A_515, %lt3A_521 : i32
        %ne3A_523 = arith.xori %lt3A_520, %lt3A_522 : i1
        %and3A_524 = arith.andi %ne3A_523, %ne3A_518 : i1
        %add3A_525 = arith.addi %rem3A_516, %select_n3A_515 : i32
        %select_n3A_526 = arith.select %and3A_524, %add3A_525, %rem3A_516 : i32
        %mul3A_527 = arith.constant 80 : i32
        %mul3A_528 = arith.muli %select_n3A, %mul3A_527 : i32
        %multiple_of3A = tpu.assume_multiple %mul3A_528, 80 : i32
        %add3A_529 = arith.constant 1 : i32
        %add3A_530 = arith.addi %select_n3A_526, %add3A_529 : i32
        %mul3A_531 = arith.constant 128 : i32
        %mul3A_532 = arith.muli %add3A_530, %mul3A_531 : i32
        %multiple_of3A_533 = tpu.assume_multiple %mul3A_532, 128 : i32
        %dma_wait3A = arith.constant 4 : i32
        %dma_wait3A_534 = arith.constant 0 : i32
        %dma_wait3A_535 = arith.constant 0 : i32
        %dma_wait3A_536 = tpu.memref_slice %arg7[%dma_wait3A, %dma_wait3A_534, %dma_wait3A_535] : memref<8x80x128xf32, #tpu.memory_space<vmem>> -> memref<1x80x128xf32, #tpu.memory_space<vmem>>
        %dma_wait3A_537 = tpu.memref_squeeze %dma_wait3A_536 : memref<1x80x128xf32, #tpu.memory_space<vmem>> -> memref<80x128xf32, #tpu.memory_space<vmem>>
        %dma_wait3A_538 = tpu.memref_slice %arg5[%multiple_of3A, %multiple_of3A_533] : memref<10000x4224xf32, #tpu.memory_space<hbm>> -> memref<80x128xf32, #tpu.memory_space<hbm>>
        %dma_wait3A_539 = tpu.memref_slice %arg5[%multiple_of3A, %multiple_of3A_533] : memref<10000x4224xf32, #tpu.memory_space<hbm>> -> memref<80x128xf32, #tpu.memory_space<hbm>>
        %dma_wait3A_540 = arith.constant 0 : i32
        %dma_wait3A_541 = arith.constant 0 : i32
        %dma_wait3A_542 = tpu.memref_slice %arg7[%dma_wait3A, %dma_wait3A_540, %dma_wait3A_541] : memref<8x80x128xf32, #tpu.memory_space<vmem>> -> memref<1x80x128xf32, #tpu.memory_space<vmem>>
        %dma_wait3A_543 = tpu.memref_squeeze %dma_wait3A_542 : memref<1x80x128xf32, #tpu.memory_space<vmem>> -> memref<80x128xf32, #tpu.memory_space<vmem>>
        tpu.wait_dma2 semaphore(%arg20 : memref<!tpu.dma_semaphore, #tpu.memory_space<semaphore_mem>>) src(%dma_wait3A_543 : memref<80x128xf32, #tpu.memory_space<vmem>>) dst(%dma_wait3A_539 : memref<80x128xf32, #tpu.memory_space<hbm>>)
      } else {
      }
      %add3A_388 = arith.constant 4 : i32
      %add3A_389 = arith.addi %mul3A_142, %add3A_388 : i32
      %add3A_390 = arith.constant 8 : i32
      %add3A_391 = arith.addi %add3A_389, %add3A_390 : i32
      %ge3A_392 = arith.constant 0 : i32
      %ge3A_393 = arith.cmpi sge, %add3A_391, %ge3A_392 : i32
      %lt3A_394 = arith.constant 128 : i32
      %lt3A_395 = arith.cmpi slt, %add3A_391, %lt3A_394 : i32
      %and3A_396 = arith.andi %ge3A_393, %lt3A_395 : i1
      %add3A_397 = arith.addi %mul3A_2, %add3A_391 : i32
      %lt3A_398 = arith.constant 4000 : i32
      %lt3A_399 = arith.cmpi slt, %add3A_397, %lt3A_398 : i32
      %and3A_400 = arith.andi %and3A_396, %lt3A_399 : i1
      %convert_element_type3A_401 = arith.extui %and3A_400 : i1 to i32
      %cond3A_402 = arith.constant 0 : i32
      %cond3A_403 = arith.cmpi ne, %convert_element_type3A_401, %cond3A_402 : i32
      scf.if %cond3A_403 {
        %dma_start3A = arith.constant 4 : i32
        %dma_start3A_494 = arith.constant 0 : i32
        %dma_start3A_495 = arith.constant 0 : i32
        %dma_start3A_496 = tpu.memref_slice %arg7[%dma_start3A, %dma_start3A_494, %dma_start3A_495] : memref<8x80x128xf32, #tpu.memory_space<vmem>> -> memref<1x80x128xf32, #tpu.memory_space<vmem>>
        %dma_start3A_497 = tpu.memref_squeeze %dma_start3A_496 : memref<1x80x128xf32, #tpu.memory_space<vmem>> -> memref<80x128xf32, #tpu.memory_space<vmem>>
        %dma_start3A_498 = arith.constant 0 : i32
        %dma_start3A_499 = tpu.memref_slice %arg6[%add3A_391, %dma_start3A_498] : memref<128x80xi32, #tpu.memory_space<vmem>> -> memref<1x80xi32, #tpu.memory_space<vmem>>
        %dma_start3A_500 = tpu.memref_squeeze %dma_start3A_499 : memref<1x80xi32, #tpu.memory_space<vmem>> -> memref<80xi32, #tpu.memory_space<vmem>>
        %dma_start3A_501 = arith.constant 0 : i32
        %dma_start3A_502 = arith.constant 0 : i32
        %dma_start3A_503 = tpu.memref_slice %arg2[%dma_start3A_501, %dma_start3A_502] : memref<10000x128xf32, #tpu.memory_space<hbm>> -> memref<10000x128xf32, #tpu.memory_space<hbm>>
        tpu.enqueue_indirect_dma source(%dma_start3A_503 : memref<10000x128xf32, #tpu.memory_space<hbm>>) target(%dma_start3A_497 : memref<80x128xf32, #tpu.memory_space<vmem>>) offsets(%dma_start3A_500 : memref<80xi32, #tpu.memory_space<vmem>>) semaphore(%arg12 : memref<!tpu.dma_semaphore, #tpu.memory_space<semaphore_mem>>)
      } else {
      }
      %add3A_404 = arith.constant 5 : i32
      %add3A_405 = arith.addi %mul3A_142, %add3A_404 : i32
      %ge3A_406 = arith.constant 0 : i32
      %ge3A_407 = arith.cmpi sge, %add3A_405, %ge3A_406 : i32
      %lt3A_408 = arith.constant 128 : i32
      %lt3A_409 = arith.cmpi slt, %add3A_405, %lt3A_408 : i32
      %and3A_410 = arith.andi %ge3A_407, %lt3A_409 : i1
      %add3A_411 = arith.addi %mul3A_2, %add3A_405 : i32
      %lt3A_412 = arith.constant 4000 : i32
      %lt3A_413 = arith.cmpi slt, %add3A_411, %lt3A_412 : i32
      %and3A_414 = arith.andi %and3A_410, %lt3A_413 : i1
      %convert_element_type3A_415 = arith.extui %and3A_414 : i1 to i32
      %cond3A_416 = arith.constant 0 : i32
      %cond3A_417 = arith.cmpi ne, %convert_element_type3A_415, %cond3A_416 : i32
      scf.if %cond3A_417 {
        %add3A_494 = arith.addi %mul3A_2, %add3A_405 : i32
        %jit3A = arith.constant 32 : i32
        %div3A = arith.divsi %add3A_494, %jit3A : i32
        %sign3A = arith.constant 0 : i32
        %sign3A_495 = arith.cmpi sgt, %add3A_494, %sign3A : i32
        %sign3A_496 = arith.extui %sign3A_495 : i1 to i32
        %sign3A_497 = arith.constant 0 : i32
        %sign3A_498 = arith.cmpi slt, %add3A_494, %sign3A_497 : i32
        %sign3A_499 = arith.extui %sign3A_498 : i1 to i32
        %sign3A_500 = arith.subi %sign3A_496, %sign3A_499 : i32
        %sign3A_501 = arith.constant 0 : i32
        %sign3A_502 = arith.cmpi sgt, %jit3A, %sign3A_501 : i32
        %sign3A_503 = arith.extui %sign3A_502 : i1 to i32
        %sign3A_504 = arith.constant 0 : i32
        %sign3A_505 = arith.cmpi slt, %jit3A, %sign3A_504 : i32
        %sign3A_506 = arith.extui %sign3A_505 : i1 to i32
        %sign3A_507 = arith.subi %sign3A_503, %sign3A_506 : i32
        %ne3A = arith.cmpi ne, %sign3A_500, %sign3A_507 : i32
        %rem3A = arith.remsi %add3A_494, %jit3A : i32
        %ne3A_508 = arith.constant 0 : i32
        %ne3A_509 = arith.cmpi ne, %rem3A, %ne3A_508 : i32
        %and3A_510 = arith.andi %ne3A, %ne3A_509 : i1
        %sub3A = arith.constant 1 : i32
        %sub3A_511 = arith.subi %div3A, %sub3A : i32
        %select_n3A = arith.select %and3A_510, %sub3A_511, %div3A : i32
        %jit3A_512 = arith.constant 32 : i32
        %eq3A = arith.constant 0 : i32
        %eq3A_513 = arith.cmpi eq, %jit3A_512, %eq3A : i32
        %jit3A_514 = arith.constant 1 : i32
        %select_n3A_515 = arith.select %eq3A_513, %jit3A_514, %jit3A_512 : i32
        %rem3A_516 = arith.remsi %add3A_494, %select_n3A_515 : i32
        %ne3A_517 = arith.constant 0 : i32
        %ne3A_518 = arith.cmpi ne, %rem3A_516, %ne3A_517 : i32
        %lt3A_519 = arith.constant 0 : i32
        %lt3A_520 = arith.cmpi slt, %rem3A_516, %lt3A_519 : i32
        %lt3A_521 = arith.constant 0 : i32
        %lt3A_522 = arith.cmpi slt, %select_n3A_515, %lt3A_521 : i32
        %ne3A_523 = arith.xori %lt3A_520, %lt3A_522 : i1
        %and3A_524 = arith.andi %ne3A_523, %ne3A_518 : i1
        %add3A_525 = arith.addi %rem3A_516, %select_n3A_515 : i32
        %select_n3A_526 = arith.select %and3A_524, %add3A_525, %rem3A_516 : i32
        %mul3A_527 = arith.constant 80 : i32
        %mul3A_528 = arith.muli %select_n3A, %mul3A_527 : i32
        %multiple_of3A = tpu.assume_multiple %mul3A_528, 80 : i32
        %add3A_529 = arith.constant 1 : i32
        %add3A_530 = arith.addi %select_n3A_526, %add3A_529 : i32
        %mul3A_531 = arith.constant 128 : i32
        %mul3A_532 = arith.muli %add3A_530, %mul3A_531 : i32
        %multiple_of3A_533 = tpu.assume_multiple %mul3A_532, 128 : i32
        %dma_wait3A = arith.constant 5 : i32
        %dma_wait3A_534 = arith.constant 0 : i32
        %dma_wait3A_535 = arith.constant 0 : i32
        %dma_wait3A_536 = tpu.memref_slice %arg7[%dma_wait3A, %dma_wait3A_534, %dma_wait3A_535] : memref<8x80x128xf32, #tpu.memory_space<vmem>> -> memref<1x80x128xf32, #tpu.memory_space<vmem>>
        %dma_wait3A_537 = tpu.memref_squeeze %dma_wait3A_536 : memref<1x80x128xf32, #tpu.memory_space<vmem>> -> memref<80x128xf32, #tpu.memory_space<vmem>>
        %dma_wait3A_538 = tpu.memref_slice %arg5[%multiple_of3A, %multiple_of3A_533] : memref<10000x4224xf32, #tpu.memory_space<hbm>> -> memref<80x128xf32, #tpu.memory_space<hbm>>
        %dma_wait3A_539 = tpu.memref_slice %arg5[%multiple_of3A, %multiple_of3A_533] : memref<10000x4224xf32, #tpu.memory_space<hbm>> -> memref<80x128xf32, #tpu.memory_space<hbm>>
        %dma_wait3A_540 = arith.constant 0 : i32
        %dma_wait3A_541 = arith.constant 0 : i32
        %dma_wait3A_542 = tpu.memref_slice %arg7[%dma_wait3A, %dma_wait3A_540, %dma_wait3A_541] : memref<8x80x128xf32, #tpu.memory_space<vmem>> -> memref<1x80x128xf32, #tpu.memory_space<vmem>>
        %dma_wait3A_543 = tpu.memref_squeeze %dma_wait3A_542 : memref<1x80x128xf32, #tpu.memory_space<vmem>> -> memref<80x128xf32, #tpu.memory_space<vmem>>
        tpu.wait_dma2 semaphore(%arg21 : memref<!tpu.dma_semaphore, #tpu.memory_space<semaphore_mem>>) src(%dma_wait3A_543 : memref<80x128xf32, #tpu.memory_space<vmem>>) dst(%dma_wait3A_539 : memref<80x128xf32, #tpu.memory_space<hbm>>)
      } else {
      }
      %add3A_418 = arith.constant 5 : i32
      %add3A_419 = arith.addi %mul3A_142, %add3A_418 : i32
      %add3A_420 = arith.constant 8 : i32
      %add3A_421 = arith.addi %add3A_419, %add3A_420 : i32
      %ge3A_422 = arith.constant 0 : i32
      %ge3A_423 = arith.cmpi sge, %add3A_421, %ge3A_422 : i32
      %lt3A_424 = arith.constant 128 : i32
      %lt3A_425 = arith.cmpi slt, %add3A_421, %lt3A_424 : i32
      %and3A_426 = arith.andi %ge3A_423, %lt3A_425 : i1
      %add3A_427 = arith.addi %mul3A_2, %add3A_421 : i32
      %lt3A_428 = arith.constant 4000 : i32
      %lt3A_429 = arith.cmpi slt, %add3A_427, %lt3A_428 : i32
      %and3A_430 = arith.andi %and3A_426, %lt3A_429 : i1
      %convert_element_type3A_431 = arith.extui %and3A_430 : i1 to i32
      %cond3A_432 = arith.constant 0 : i32
      %cond3A_433 = arith.cmpi ne, %convert_element_type3A_431, %cond3A_432 : i32
      scf.if %cond3A_433 {
        %dma_start3A = arith.constant 5 : i32
        %dma_start3A_494 = arith.constant 0 : i32
        %dma_start3A_495 = arith.constant 0 : i32
        %dma_start3A_496 = tpu.memref_slice %arg7[%dma_start3A, %dma_start3A_494, %dma_start3A_495] : memref<8x80x128xf32, #tpu.memory_space<vmem>> -> memref<1x80x128xf32, #tpu.memory_space<vmem>>
        %dma_start3A_497 = tpu.memref_squeeze %dma_start3A_496 : memref<1x80x128xf32, #tpu.memory_space<vmem>> -> memref<80x128xf32, #tpu.memory_space<vmem>>
        %dma_start3A_498 = arith.constant 0 : i32
        %dma_start3A_499 = tpu.memref_slice %arg6[%add3A_421, %dma_start3A_498] : memref<128x80xi32, #tpu.memory_space<vmem>> -> memref<1x80xi32, #tpu.memory_space<vmem>>
        %dma_start3A_500 = tpu.memref_squeeze %dma_start3A_499 : memref<1x80xi32, #tpu.memory_space<vmem>> -> memref<80xi32, #tpu.memory_space<vmem>>
        %dma_start3A_501 = arith.constant 0 : i32
        %dma_start3A_502 = arith.constant 0 : i32
        %dma_start3A_503 = tpu.memref_slice %arg2[%dma_start3A_501, %dma_start3A_502] : memref<10000x128xf32, #tpu.memory_space<hbm>> -> memref<10000x128xf32, #tpu.memory_space<hbm>>
        tpu.enqueue_indirect_dma source(%dma_start3A_503 : memref<10000x128xf32, #tpu.memory_space<hbm>>) target(%dma_start3A_497 : memref<80x128xf32, #tpu.memory_space<vmem>>) offsets(%dma_start3A_500 : memref<80xi32, #tpu.memory_space<vmem>>) semaphore(%arg13 : memref<!tpu.dma_semaphore, #tpu.memory_space<semaphore_mem>>)
      } else {
      }
      %add3A_434 = arith.constant 6 : i32
      %add3A_435 = arith.addi %mul3A_142, %add3A_434 : i32
      %ge3A_436 = arith.constant 0 : i32
      %ge3A_437 = arith.cmpi sge, %add3A_435, %ge3A_436 : i32
      %lt3A_438 = arith.constant 128 : i32
      %lt3A_439 = arith.cmpi slt, %add3A_435, %lt3A_438 : i32
      %and3A_440 = arith.andi %ge3A_437, %lt3A_439 : i1
      %add3A_441 = arith.addi %mul3A_2, %add3A_435 : i32
      %lt3A_442 = arith.constant 4000 : i32
      %lt3A_443 = arith.cmpi slt, %add3A_441, %lt3A_442 : i32
      %and3A_444 = arith.andi %and3A_440, %lt3A_443 : i1
      %convert_element_type3A_445 = arith.extui %and3A_444 : i1 to i32
      %cond3A_446 = arith.constant 0 : i32
      %cond3A_447 = arith.cmpi ne, %convert_element_type3A_445, %cond3A_446 : i32
      scf.if %cond3A_447 {
        %add3A_494 = arith.addi %mul3A_2, %add3A_435 : i32
        %jit3A = arith.constant 32 : i32
        %div3A = arith.divsi %add3A_494, %jit3A : i32
        %sign3A = arith.constant 0 : i32
        %sign3A_495 = arith.cmpi sgt, %add3A_494, %sign3A : i32
        %sign3A_496 = arith.extui %sign3A_495 : i1 to i32
        %sign3A_497 = arith.constant 0 : i32
        %sign3A_498 = arith.cmpi slt, %add3A_494, %sign3A_497 : i32
        %sign3A_499 = arith.extui %sign3A_498 : i1 to i32
        %sign3A_500 = arith.subi %sign3A_496, %sign3A_499 : i32
        %sign3A_501 = arith.constant 0 : i32
        %sign3A_502 = arith.cmpi sgt, %jit3A, %sign3A_501 : i32
        %sign3A_503 = arith.extui %sign3A_502 : i1 to i32
        %sign3A_504 = arith.constant 0 : i32
        %sign3A_505 = arith.cmpi slt, %jit3A, %sign3A_504 : i32
        %sign3A_506 = arith.extui %sign3A_505 : i1 to i32
        %sign3A_507 = arith.subi %sign3A_503, %sign3A_506 : i32
        %ne3A = arith.cmpi ne, %sign3A_500, %sign3A_507 : i32
        %rem3A = arith.remsi %add3A_494, %jit3A : i32
        %ne3A_508 = arith.constant 0 : i32
        %ne3A_509 = arith.cmpi ne, %rem3A, %ne3A_508 : i32
        %and3A_510 = arith.andi %ne3A, %ne3A_509 : i1
        %sub3A = arith.constant 1 : i32
        %sub3A_511 = arith.subi %div3A, %sub3A : i32
        %select_n3A = arith.select %and3A_510, %sub3A_511, %div3A : i32
        %jit3A_512 = arith.constant 32 : i32
        %eq3A = arith.constant 0 : i32
        %eq3A_513 = arith.cmpi eq, %jit3A_512, %eq3A : i32
        %jit3A_514 = arith.constant 1 : i32
        %select_n3A_515 = arith.select %eq3A_513, %jit3A_514, %jit3A_512 : i32
        %rem3A_516 = arith.remsi %add3A_494, %select_n3A_515 : i32
        %ne3A_517 = arith.constant 0 : i32
        %ne3A_518 = arith.cmpi ne, %rem3A_516, %ne3A_517 : i32
        %lt3A_519 = arith.constant 0 : i32
        %lt3A_520 = arith.cmpi slt, %rem3A_516, %lt3A_519 : i32
        %lt3A_521 = arith.constant 0 : i32
        %lt3A_522 = arith.cmpi slt, %select_n3A_515, %lt3A_521 : i32
        %ne3A_523 = arith.xori %lt3A_520, %lt3A_522 : i1
        %and3A_524 = arith.andi %ne3A_523, %ne3A_518 : i1
        %add3A_525 = arith.addi %rem3A_516, %select_n3A_515 : i32
        %select_n3A_526 = arith.select %and3A_524, %add3A_525, %rem3A_516 : i32
        %mul3A_527 = arith.constant 80 : i32
        %mul3A_528 = arith.muli %select_n3A, %mul3A_527 : i32
        %multiple_of3A = tpu.assume_multiple %mul3A_528, 80 : i32
        %add3A_529 = arith.constant 1 : i32
        %add3A_530 = arith.addi %select_n3A_526, %add3A_529 : i32
        %mul3A_531 = arith.constant 128 : i32
        %mul3A_532 = arith.muli %add3A_530, %mul3A_531 : i32
        %multiple_of3A_533 = tpu.assume_multiple %mul3A_532, 128 : i32
        %dma_wait3A = arith.constant 6 : i32
        %dma_wait3A_534 = arith.constant 0 : i32
        %dma_wait3A_535 = arith.constant 0 : i32
        %dma_wait3A_536 = tpu.memref_slice %arg7[%dma_wait3A, %dma_wait3A_534, %dma_wait3A_535] : memref<8x80x128xf32, #tpu.memory_space<vmem>> -> memref<1x80x128xf32, #tpu.memory_space<vmem>>
        %dma_wait3A_537 = tpu.memref_squeeze %dma_wait3A_536 : memref<1x80x128xf32, #tpu.memory_space<vmem>> -> memref<80x128xf32, #tpu.memory_space<vmem>>
        %dma_wait3A_538 = tpu.memref_slice %arg5[%multiple_of3A, %multiple_of3A_533] : memref<10000x4224xf32, #tpu.memory_space<hbm>> -> memref<80x128xf32, #tpu.memory_space<hbm>>
        %dma_wait3A_539 = tpu.memref_slice %arg5[%multiple_of3A, %multiple_of3A_533] : memref<10000x4224xf32, #tpu.memory_space<hbm>> -> memref<80x128xf32, #tpu.memory_space<hbm>>
        %dma_wait3A_540 = arith.constant 0 : i32
        %dma_wait3A_541 = arith.constant 0 : i32
        %dma_wait3A_542 = tpu.memref_slice %arg7[%dma_wait3A, %dma_wait3A_540, %dma_wait3A_541] : memref<8x80x128xf32, #tpu.memory_space<vmem>> -> memref<1x80x128xf32, #tpu.memory_space<vmem>>
        %dma_wait3A_543 = tpu.memref_squeeze %dma_wait3A_542 : memref<1x80x128xf32, #tpu.memory_space<vmem>> -> memref<80x128xf32, #tpu.memory_space<vmem>>
        tpu.wait_dma2 semaphore(%arg22 : memref<!tpu.dma_semaphore, #tpu.memory_space<semaphore_mem>>) src(%dma_wait3A_543 : memref<80x128xf32, #tpu.memory_space<vmem>>) dst(%dma_wait3A_539 : memref<80x128xf32, #tpu.memory_space<hbm>>)
      } else {
      }
      %add3A_448 = arith.constant 6 : i32
      %add3A_449 = arith.addi %mul3A_142, %add3A_448 : i32
      %add3A_450 = arith.constant 8 : i32
      %add3A_451 = arith.addi %add3A_449, %add3A_450 : i32
      %ge3A_452 = arith.constant 0 : i32
      %ge3A_453 = arith.cmpi sge, %add3A_451, %ge3A_452 : i32
      %lt3A_454 = arith.constant 128 : i32
      %lt3A_455 = arith.cmpi slt, %add3A_451, %lt3A_454 : i32
      %and3A_456 = arith.andi %ge3A_453, %lt3A_455 : i1
      %add3A_457 = arith.addi %mul3A_2, %add3A_451 : i32
      %lt3A_458 = arith.constant 4000 : i32
      %lt3A_459 = arith.cmpi slt, %add3A_457, %lt3A_458 : i32
      %and3A_460 = arith.andi %and3A_456, %lt3A_459 : i1
      %convert_element_type3A_461 = arith.extui %and3A_460 : i1 to i32
      %cond3A_462 = arith.constant 0 : i32
      %cond3A_463 = arith.cmpi ne, %convert_element_type3A_461, %cond3A_462 : i32
      scf.if %cond3A_463 {
        %dma_start3A = arith.constant 6 : i32
        %dma_start3A_494 = arith.constant 0 : i32
        %dma_start3A_495 = arith.constant 0 : i32
        %dma_start3A_496 = tpu.memref_slice %arg7[%dma_start3A, %dma_start3A_494, %dma_start3A_495] : memref<8x80x128xf32, #tpu.memory_space<vmem>> -> memref<1x80x128xf32, #tpu.memory_space<vmem>>
        %dma_start3A_497 = tpu.memref_squeeze %dma_start3A_496 : memref<1x80x128xf32, #tpu.memory_space<vmem>> -> memref<80x128xf32, #tpu.memory_space<vmem>>
        %dma_start3A_498 = arith.constant 0 : i32
        %dma_start3A_499 = tpu.memref_slice %arg6[%add3A_451, %dma_start3A_498] : memref<128x80xi32, #tpu.memory_space<vmem>> -> memref<1x80xi32, #tpu.memory_space<vmem>>
        %dma_start3A_500 = tpu.memref_squeeze %dma_start3A_499 : memref<1x80xi32, #tpu.memory_space<vmem>> -> memref<80xi32, #tpu.memory_space<vmem>>
        %dma_start3A_501 = arith.constant 0 : i32
        %dma_start3A_502 = arith.constant 0 : i32
        %dma_start3A_503 = tpu.memref_slice %arg2[%dma_start3A_501, %dma_start3A_502] : memref<10000x128xf32, #tpu.memory_space<hbm>> -> memref<10000x128xf32, #tpu.memory_space<hbm>>
        tpu.enqueue_indirect_dma source(%dma_start3A_503 : memref<10000x128xf32, #tpu.memory_space<hbm>>) target(%dma_start3A_497 : memref<80x128xf32, #tpu.memory_space<vmem>>) offsets(%dma_start3A_500 : memref<80xi32, #tpu.memory_space<vmem>>) semaphore(%arg14 : memref<!tpu.dma_semaphore, #tpu.memory_space<semaphore_mem>>)
      } else {
      }
      %add3A_464 = arith.constant 7 : i32
      %add3A_465 = arith.addi %mul3A_142, %add3A_464 : i32
      %ge3A_466 = arith.constant 0 : i32
      %ge3A_467 = arith.cmpi sge, %add3A_465, %ge3A_466 : i32
      %lt3A_468 = arith.constant 128 : i32
      %lt3A_469 = arith.cmpi slt, %add3A_465, %lt3A_468 : i32
      %and3A_470 = arith.andi %ge3A_467, %lt3A_469 : i1
      %add3A_471 = arith.addi %mul3A_2, %add3A_465 : i32
      %lt3A_472 = arith.constant 4000 : i32
      %lt3A_473 = arith.cmpi slt, %add3A_471, %lt3A_472 : i32
      %and3A_474 = arith.andi %and3A_470, %lt3A_473 : i1
      %convert_element_type3A_475 = arith.extui %and3A_474 : i1 to i32
      %cond3A_476 = arith.constant 0 : i32
      %cond3A_477 = arith.cmpi ne, %convert_element_type3A_475, %cond3A_476 : i32
      scf.if %cond3A_477 {
        %add3A_494 = arith.addi %mul3A_2, %add3A_465 : i32
        %jit3A = arith.constant 32 : i32
        %div3A = arith.divsi %add3A_494, %jit3A : i32
        %sign3A = arith.constant 0 : i32
        %sign3A_495 = arith.cmpi sgt, %add3A_494, %sign3A : i32
        %sign3A_496 = arith.extui %sign3A_495 : i1 to i32
        %sign3A_497 = arith.constant 0 : i32
        %sign3A_498 = arith.cmpi slt, %add3A_494, %sign3A_497 : i32
        %sign3A_499 = arith.extui %sign3A_498 : i1 to i32
        %sign3A_500 = arith.subi %sign3A_496, %sign3A_499 : i32
        %sign3A_501 = arith.constant 0 : i32
        %sign3A_502 = arith.cmpi sgt, %jit3A, %sign3A_501 : i32
        %sign3A_503 = arith.extui %sign3A_502 : i1 to i32
        %sign3A_504 = arith.constant 0 : i32
        %sign3A_505 = arith.cmpi slt, %jit3A, %sign3A_504 : i32
        %sign3A_506 = arith.extui %sign3A_505 : i1 to i32
        %sign3A_507 = arith.subi %sign3A_503, %sign3A_506 : i32
        %ne3A = arith.cmpi ne, %sign3A_500, %sign3A_507 : i32
        %rem3A = arith.remsi %add3A_494, %jit3A : i32
        %ne3A_508 = arith.constant 0 : i32
        %ne3A_509 = arith.cmpi ne, %rem3A, %ne3A_508 : i32
        %and3A_510 = arith.andi %ne3A, %ne3A_509 : i1
        %sub3A = arith.constant 1 : i32
        %sub3A_511 = arith.subi %div3A, %sub3A : i32
        %select_n3A = arith.select %and3A_510, %sub3A_511, %div3A : i32
        %jit3A_512 = arith.constant 32 : i32
        %eq3A = arith.constant 0 : i32
        %eq3A_513 = arith.cmpi eq, %jit3A_512, %eq3A : i32
        %jit3A_514 = arith.constant 1 : i32
        %select_n3A_515 = arith.select %eq3A_513, %jit3A_514, %jit3A_512 : i32
        %rem3A_516 = arith.remsi %add3A_494, %select_n3A_515 : i32
        %ne3A_517 = arith.constant 0 : i32
        %ne3A_518 = arith.cmpi ne, %rem3A_516, %ne3A_517 : i32
        %lt3A_519 = arith.constant 0 : i32
        %lt3A_520 = arith.cmpi slt, %rem3A_516, %lt3A_519 : i32
        %lt3A_521 = arith.constant 0 : i32
        %lt3A_522 = arith.cmpi slt, %select_n3A_515, %lt3A_521 : i32
        %ne3A_523 = arith.xori %lt3A_520, %lt3A_522 : i1
        %and3A_524 = arith.andi %ne3A_523, %ne3A_518 : i1
        %add3A_525 = arith.addi %rem3A_516, %select_n3A_515 : i32
        %select_n3A_526 = arith.select %and3A_524, %add3A_525, %rem3A_516 : i32
        %mul3A_527 = arith.constant 80 : i32
        %mul3A_528 = arith.muli %select_n3A, %mul3A_527 : i32
        %multiple_of3A = tpu.assume_multiple %mul3A_528, 80 : i32
        %add3A_529 = arith.constant 1 : i32
        %add3A_530 = arith.addi %select_n3A_526, %add3A_529 : i32
        %mul3A_531 = arith.constant 128 : i32
        %mul3A_532 = arith.muli %add3A_530, %mul3A_531 : i32
        %multiple_of3A_533 = tpu.assume_multiple %mul3A_532, 128 : i32
        %dma_wait3A = arith.constant 7 : i32
        %dma_wait3A_534 = arith.constant 0 : i32
        %dma_wait3A_535 = arith.constant 0 : i32
        %dma_wait3A_536 = tpu.memref_slice %arg7[%dma_wait3A, %dma_wait3A_534, %dma_wait3A_535] : memref<8x80x128xf32, #tpu.memory_space<vmem>> -> memref<1x80x128xf32, #tpu.memory_space<vmem>>
        %dma_wait3A_537 = tpu.memref_squeeze %dma_wait3A_536 : memref<1x80x128xf32, #tpu.memory_space<vmem>> -> memref<80x128xf32, #tpu.memory_space<vmem>>
        %dma_wait3A_538 = tpu.memref_slice %arg5[%multiple_of3A, %multiple_of3A_533] : memref<10000x4224xf32, #tpu.memory_space<hbm>> -> memref<80x128xf32, #tpu.memory_space<hbm>>
        %dma_wait3A_539 = tpu.memref_slice %arg5[%multiple_of3A, %multiple_of3A_533] : memref<10000x4224xf32, #tpu.memory_space<hbm>> -> memref<80x128xf32, #tpu.memory_space<hbm>>
        %dma_wait3A_540 = arith.constant 0 : i32
        %dma_wait3A_541 = arith.constant 0 : i32
        %dma_wait3A_542 = tpu.memref_slice %arg7[%dma_wait3A, %dma_wait3A_540, %dma_wait3A_541] : memref<8x80x128xf32, #tpu.memory_space<vmem>> -> memref<1x80x128xf32, #tpu.memory_space<vmem>>
        %dma_wait3A_543 = tpu.memref_squeeze %dma_wait3A_542 : memref<1x80x128xf32, #tpu.memory_space<vmem>> -> memref<80x128xf32, #tpu.memory_space<vmem>>
        tpu.wait_dma2 semaphore(%arg23 : memref<!tpu.dma_semaphore, #tpu.memory_space<semaphore_mem>>) src(%dma_wait3A_543 : memref<80x128xf32, #tpu.memory_space<vmem>>) dst(%dma_wait3A_539 : memref<80x128xf32, #tpu.memory_space<hbm>>)
      } else {
      }
      %add3A_478 = arith.constant 7 : i32
      %add3A_479 = arith.addi %mul3A_142, %add3A_478 : i32
      %add3A_480 = arith.constant 8 : i32
      %add3A_481 = arith.addi %add3A_479, %add3A_480 : i32
      %ge3A_482 = arith.constant 0 : i32
      %ge3A_483 = arith.cmpi sge, %add3A_481, %ge3A_482 : i32
      %lt3A_484 = arith.constant 128 : i32
      %lt3A_485 = arith.cmpi slt, %add3A_481, %lt3A_484 : i32
      %and3A_486 = arith.andi %ge3A_483, %lt3A_485 : i1
      %add3A_487 = arith.addi %mul3A_2, %add3A_481 : i32
      %lt3A_488 = arith.constant 4000 : i32
      %lt3A_489 = arith.cmpi slt, %add3A_487, %lt3A_488 : i32
      %and3A_490 = arith.andi %and3A_486, %lt3A_489 : i1
      %convert_element_type3A_491 = arith.extui %and3A_490 : i1 to i32
      %cond3A_492 = arith.constant 0 : i32
      %cond3A_493 = arith.cmpi ne, %convert_element_type3A_491, %cond3A_492 : i32
      scf.if %cond3A_493 {
        %dma_start3A = arith.constant 7 : i32
        %dma_start3A_494 = arith.constant 0 : i32
        %dma_start3A_495 = arith.constant 0 : i32
        %dma_start3A_496 = tpu.memref_slice %arg7[%dma_start3A, %dma_start3A_494, %dma_start3A_495] : memref<8x80x128xf32, #tpu.memory_space<vmem>> -> memref<1x80x128xf32, #tpu.memory_space<vmem>>
        %dma_start3A_497 = tpu.memref_squeeze %dma_start3A_496 : memref<1x80x128xf32, #tpu.memory_space<vmem>> -> memref<80x128xf32, #tpu.memory_space<vmem>>
        %dma_start3A_498 = arith.constant 0 : i32
        %dma_start3A_499 = tpu.memref_slice %arg6[%add3A_481, %dma_start3A_498] : memref<128x80xi32, #tpu.memory_space<vmem>> -> memref<1x80xi32, #tpu.memory_space<vmem>>
        %dma_start3A_500 = tpu.memref_squeeze %dma_start3A_499 : memref<1x80xi32, #tpu.memory_space<vmem>> -> memref<80xi32, #tpu.memory_space<vmem>>
        %dma_start3A_501 = arith.constant 0 : i32
        %dma_start3A_502 = arith.constant 0 : i32
        %dma_start3A_503 = tpu.memref_slice %arg2[%dma_start3A_501, %dma_start3A_502] : memref<10000x128xf32, #tpu.memory_space<hbm>> -> memref<10000x128xf32, #tpu.memory_space<hbm>>
        tpu.enqueue_indirect_dma source(%dma_start3A_503 : memref<10000x128xf32, #tpu.memory_space<hbm>>) target(%dma_start3A_497 : memref<80x128xf32, #tpu.memory_space<vmem>>) offsets(%dma_start3A_500 : memref<80xi32, #tpu.memory_space<vmem>>) semaphore(%arg15 : memref<!tpu.dma_semaphore, #tpu.memory_space<semaphore_mem>>)
      } else {
      }
    }
    %scan3A_111 = arith.constant 16 : i32
    %add3A_112 = arith.constant 0 : i32
    %add3A_113 = arith.addi %mul3A_4, %add3A_112 : i32
    %lt3A_114 = arith.constant 125 : i32
    %lt3A_115 = arith.cmpi slt, %add3A_113, %lt3A_114 : i32
    %convert_element_type3A_116 = arith.extui %lt3A_115 : i1 to i32
    %cond3A_117 = arith.constant 0 : i32
    %cond3A_118 = arith.cmpi ne, %convert_element_type3A_116, %cond3A_117 : i32
    scf.if %cond3A_118 {
      %add3A_140 = arith.constant 0 : i32
      %add3A_141 = arith.addi %mul3A_4, %add3A_140 : i32
      %mul3A_142 = arith.constant 80 : i32
      %mul3A_143 = arith.muli %add3A_141, %mul3A_142 : i32
      %multiple_of3A = tpu.assume_multiple %mul3A_143, 80 : i32
      %dma_wait3A = arith.constant 0 : i32
      %dma_wait3A_144 = tpu.memref_slice %arg5[%multiple_of3A, %dma_wait3A] : memref<10000x4224xf32, #tpu.memory_space<hbm>> -> memref<80x128xf32, #tpu.memory_space<hbm>>
      %dma_wait3A_145 = arith.constant 0 : i32
      %dma_wait3A_146 = tpu.memref_slice %arg3[%multiple_of3A, %dma_wait3A_145] : memref<10000x128xf32, #tpu.memory_space<hbm>> -> memref<80x128xf32, #tpu.memory_space<hbm>>
      tpu.wait_dma2 semaphore(%arg24 : memref<!tpu.dma_semaphore, #tpu.memory_space<semaphore_mem>>) src(%dma_wait3A_146 : memref<80x128xf32, #tpu.memory_space<hbm>>) dst(%dma_wait3A_144 : memref<80x128xf32, #tpu.memory_space<hbm>>)
    } else {
    }
    %add3A_119 = arith.constant 1 : i32
    %add3A_120 = arith.addi %mul3A_4, %add3A_119 : i32
    %lt3A_121 = arith.constant 125 : i32
    %lt3A_122 = arith.cmpi slt, %add3A_120, %lt3A_121 : i32
    %convert_element_type3A_123 = arith.extui %lt3A_122 : i1 to i32
    %cond3A_124 = arith.constant 0 : i32
    %cond3A_125 = arith.cmpi ne, %convert_element_type3A_123, %cond3A_124 : i32
    scf.if %cond3A_125 {
      %add3A_140 = arith.constant 1 : i32
      %add3A_141 = arith.addi %mul3A_4, %add3A_140 : i32
      %mul3A_142 = arith.constant 80 : i32
      %mul3A_143 = arith.muli %add3A_141, %mul3A_142 : i32
      %multiple_of3A = tpu.assume_multiple %mul3A_143, 80 : i32
      %dma_wait3A = arith.constant 0 : i32
      %dma_wait3A_144 = tpu.memref_slice %arg5[%multiple_of3A, %dma_wait3A] : memref<10000x4224xf32, #tpu.memory_space<hbm>> -> memref<80x128xf32, #tpu.memory_space<hbm>>
      %dma_wait3A_145 = arith.constant 0 : i32
      %dma_wait3A_146 = tpu.memref_slice %arg3[%multiple_of3A, %dma_wait3A_145] : memref<10000x128xf32, #tpu.memory_space<hbm>> -> memref<80x128xf32, #tpu.memory_space<hbm>>
      tpu.wait_dma2 semaphore(%arg24 : memref<!tpu.dma_semaphore, #tpu.memory_space<semaphore_mem>>) src(%dma_wait3A_146 : memref<80x128xf32, #tpu.memory_space<hbm>>) dst(%dma_wait3A_144 : memref<80x128xf32, #tpu.memory_space<hbm>>)
    } else {
    }
    %add3A_126 = arith.constant 2 : i32
    %add3A_127 = arith.addi %mul3A_4, %add3A_126 : i32
    %lt3A_128 = arith.constant 125 : i32
    %lt3A_129 = arith.cmpi slt, %add3A_127, %lt3A_128 : i32
    %convert_element_type3A_130 = arith.extui %lt3A_129 : i1 to i32
    %cond3A_131 = arith.constant 0 : i32
    %cond3A_132 = arith.cmpi ne, %convert_element_type3A_130, %cond3A_131 : i32
    scf.if %cond3A_132 {
      %add3A_140 = arith.constant 2 : i32
      %add3A_141 = arith.addi %mul3A_4, %add3A_140 : i32
      %mul3A_142 = arith.constant 80 : i32
      %mul3A_143 = arith.muli %add3A_141, %mul3A_142 : i32
      %multiple_of3A = tpu.assume_multiple %mul3A_143, 80 : i32
      %dma_wait3A = arith.constant 0 : i32
      %dma_wait3A_144 = tpu.memref_slice %arg5[%multiple_of3A, %dma_wait3A] : memref<10000x4224xf32, #tpu.memory_space<hbm>> -> memref<80x128xf32, #tpu.memory_space<hbm>>
      %dma_wait3A_145 = arith.constant 0 : i32
      %dma_wait3A_146 = tpu.memref_slice %arg3[%multiple_of3A, %dma_wait3A_145] : memref<10000x128xf32, #tpu.memory_space<hbm>> -> memref<80x128xf32, #tpu.memory_space<hbm>>
      tpu.wait_dma2 semaphore(%arg24 : memref<!tpu.dma_semaphore, #tpu.memory_space<semaphore_mem>>) src(%dma_wait3A_146 : memref<80x128xf32, #tpu.memory_space<hbm>>) dst(%dma_wait3A_144 : memref<80x128xf32, #tpu.memory_space<hbm>>)
    } else {
    }
    %add3A_133 = arith.constant 3 : i32
    %add3A_134 = arith.addi %mul3A_4, %add3A_133 : i32
    %lt3A_135 = arith.constant 125 : i32
    %lt3A_136 = arith.cmpi slt, %add3A_134, %lt3A_135 : i32
    %convert_element_type3A_137 = arith.extui %lt3A_136 : i1 to i32
    %cond3A_138 = arith.constant 0 : i32
    %cond3A_139 = arith.cmpi ne, %convert_element_type3A_137, %cond3A_138 : i32
    scf.if %cond3A_139 {
      %add3A_140 = arith.constant 3 : i32
      %add3A_141 = arith.addi %mul3A_4, %add3A_140 : i32
      %mul3A_142 = arith.constant 80 : i32
      %mul3A_143 = arith.muli %add3A_141, %mul3A_142 : i32
      %multiple_of3A = tpu.assume_multiple %mul3A_143, 80 : i32
      %dma_wait3A = arith.constant 0 : i32
      %dma_wait3A_144 = tpu.memref_slice %arg5[%multiple_of3A, %dma_wait3A] : memref<10000x4224xf32, #tpu.memory_space<hbm>> -> memref<80x128xf32, #tpu.memory_space<hbm>>
      %dma_wait3A_145 = arith.constant 0 : i32
      %dma_wait3A_146 = tpu.memref_slice %arg3[%multiple_of3A, %dma_wait3A_145] : memref<10000x128xf32, #tpu.memory_space<hbm>> -> memref<80x128xf32, #tpu.memory_space<hbm>>
      tpu.wait_dma2 semaphore(%arg24 : memref<!tpu.dma_semaphore, #tpu.memory_space<semaphore_mem>>) src(%dma_wait3A_146 : memref<80x128xf32, #tpu.memory_space<hbm>>) dst(%dma_wait3A_144 : memref<80x128xf32, #tpu.memory_space<hbm>>)
    } else {
    }
    return
  }
}

</mosaic_0001>

<sc_bundles>
// kernel: kernel.3.cloned.1.call-start
scs
__scs_entry_jumppad:
0x0: {  	(pc) =	sbr.rel $0x88, $3  }
0x1: {  	(tag) =	ssettag $0x0;
	lr =	simm.s32 $0x1  }
0x2: {  	[smem:$0x3F9E] =	sst lr;
	_ =	strace $0xD0000000  }
0x3: {  	_ = 	snop  }
0x4: {  	_ = 	snop  }
0x5: {  	_ = 	snop  }
0x6: {  	_ = 	snop  }
0x7: {  	_ = 	snop  }
__scs_overlays_trampoline_lowered:
0x8: {  	[smem:$0x3FAD] =	sst s0  }
0x9: {  	[smem:$0x3FAE] =	sst s1  }
0xa: {  	[smem:$0x3FAF] =	sst s2  }
0xb: {  	[smem:$0x3FB0] =	sst s3  }
0xc: {  	[smem:$0x3FB1] =	sst s4  }
0xd: {  	[smem:$0x3FB2] =	sst s5  }
0xe: {  	[smem:$0x3FB3] =	sst s6  }
0xf: {  	[smem:$0x3FB4] =	sst s7  }
0x10: {  	[smem:$0x3FB5] =	sst s8  }
0x11: {  	[smem:$0x3FB6] =	sst s9;
	s0 =	simm.s32 @!p0 $0x0  }
0x12: {  	s1 =	sld [smem:$0x3F9C];
	s0 =	simm.s32 @p0 $0x1  }
0x13: {  	[smem:$0x3FB7] =	sst s0;
	s0 =	simm.s32 @!p1 $0x0  }
0x14: {  	s2 =	sld [smem:$0x3F9B];
	s0 =	simm.s32 @p1 $0x1  }
0x15: {  	[smem:$0x3FB8] =	sst s0;
	s0 =	simm.s32 @!p2 $0x0  }
0x16: {  	s3 =	sld [smem:$0x3FDB];
	s0 =	simm.s32 @p2 $0x1  }
0x17: {  	s4 =	simm.s32 $0x1BF5;
	[smem:$0x3FBA] =	sst s0  }
0x18: {  	s0 =	sld [smem:$0x3F9D];
	_ =	swait.ge [sflag:s4], $0x0  }
0x19: {  	s7 =	sld [smem:$0x3F9E]  }
0x1a: {  	s8 =	sadd.s32 $0xFFFFE003, lr  }
0x1b: {  	s9 =	sadd.s32 $0xFFFFFEF7, lr;
	s5 =	simm.s32 $0xFFFFFFFF;
	p2 =	slt.u32 s8, $0xFFFFF086  }
0x1c: {  	p1 =	slt.u32 s9, $0xF7A;
	s5 =	simm.s32 @!p2 $0x0  }
0x1d: {  	s5 =	simm.s32 @p1 $0x1;
	p0 =	seq.s32 s7, s2  }
0x1e: {  	s7 =	smul.u32 @!p0 $0xF7A, s2;
	p2 =	seq.s32 @!p0 s5, $0x0  }
0x1f: {  	s9 =	smul.u32 $0xF7A, s1;
	s8 =	simm.s32 @!p0 $0x1BF5;
	p2 =	por !p2, p0  }
0x20: {  	[sflag:s8] =	ssyncset.s32 @!p0 $0xFFFFF086;
	s6 =	sadd.s32 @!p0 s3, s7;
	s7 =	simm.s32 @!p0 $0x108  }
0x21: {  	s3 =	sadd.s32 s3, s9;
	s6 =	sadd.s32 @!p0 $0x88, s6;
	s7 =	simm.s32 @p2 $0x1082  }
0x22: {  	[simem:s7], [sflag:s8] =	dma.local @!p0 [hbm:s6], $0xF7A  }
0x23: {  	s9 =	sor.u32 $0xD0000000, s2;
	s6 =	simm.s32 $0x108;
	_ =	swait.ge @!p0 [sflag:s8], $0x0  }
0x24: {  	s3 =	sadd.s32 $0x88, s3;
	s6 =	simm.s32 @!p1 $0x1082;
	[sflag:s4] =	ssyncset.s32 $0xFFFFF086  }
0x25: {  	[simem:s6], [sflag:s4] =	dma.local [hbm:s3], $0xF7A  }
0x26: {  	[smem:$0x3F9E] =	sst s1;
	(tag) =	ssettag s2;
	_ =	strace s9  }
0x27: {  	s1 =	sld [smem:$0x3FAE]  }
0x28: {  	s2 =	sld [smem:$0x3FAF]  }
0x29: {  	s4 =	sld [smem:$0x3FB1]  }
0x2a: {  	p0 =	seq.s32 s5, $0x0;
	s5 =	sld [smem:$0x3FB2]  }
0x2b: {  	s6 =	sld [smem:$0x3FB3]  }
0x2c: {  	s7 =	sld [smem:$0x3FB4]  }
0x2d: {  	s3 =	simm.s32 $0x108;
	s8 =	sld [smem:$0x3FB5]  }
0x2e: {  	s3 =	simm.s32 @!p0 $0x1082;
	s9 =	sld [smem:$0x3FB6]  }
0x2f: {  	lr =	sadd.s32 s0, s3;
	s0 =	sld [smem:$0x3FAD]  }
0x30: {  	s3 =	sld [smem:$0x3FB0]  }
0x31: {  	[smem:$0x3FB9] =	sst s10  }
0x32: {  	s10 =	sld [smem:$0x3FB7];
	_ =	sdelay $0x3  }
0x33: {  	p0 =	seq.s32 s10, $0x1;
	s10 =	sld [smem:$0x3FB9];
	_ =	sdelay $0x3  }
0x34: {  	[smem:$0x3FB9] =	sst s10  }
0x35: {  	s10 =	sld [smem:$0x3FB8];
	_ =	sdelay $0x3  }
0x36: {  	p1 =	seq.s32 s10, $0x1;
	s10 =	sld [smem:$0x3FB9];
	_ =	sdelay $0x3  }
0x37: {  	[smem:$0x3FB9] =	sst s10  }
0x38: {  	s10 =	sld [smem:$0x3FBA]  }
0x39: {  	_ = 	snop;
	(pc) =	sbr.ind lr, $3  }
0x3a: {  	_ = 	snop  }
0x3b: {  	_ = 	snop  }
0x3c: {  	p2 =	seq.s32 s10, $0x1;
	s10 =	sld [smem:$0x3FB9]  }
0x3d: {  	_ =	shalt  }
0x3e: {  	_ =	shalt  }
0x3f: {  	_ =	shalt  }
0x40: {  	_ =	shalt  }
0x41: {  	_ =	shalt  }
0x42: {  	_ =	shalt  }
0x43: {  	_ =	shalt  }
0x44: {  	_ =	shalt  }
0x45: {  	_ =	shalt  }
0x46: {  	_ =	shalt  }
0x47: {  	_ =	shalt  }
0x48: {  	_ =	shalt  }
0x49: {  	_ =	shalt  }
0x4a: {  	_ =	shalt  }
0x4b: {  	_ =	shalt  }
0x4c: {  	_ =	shalt  }
0x4d: {  	_ =	shalt  }
0x4e: {  	_ =	shalt  }
0x4f: {  	_ =	shalt  }
0x50: {  	_ =	shalt  }
0x51: {  	_ =	shalt  }
0x52: {  	_ =	shalt  }
0x53: {  	_ =	shalt  }
0x54: {  	_ =	shalt  }
0x55: {  	_ =	shalt  }
0x56: {  	_ =	shalt  }
0x57: {  	_ =	shalt  }
0x58: {  	_ =	shalt  }
0x59: {  	_ =	shalt  }
0x5a: {  	_ =	shalt  }
0x5b: {  	_ =	shalt  }
0x5c: {  	_ =	shalt  }
0x5d: {  	_ =	shalt  }
0x5e: {  	_ =	shalt  }
0x5f: {  	_ =	shalt  }
0x60: {  	_ =	shalt  }
0x61: {  	_ =	shalt  }
0x62: {  	_ =	shalt  }
0x63: {  	_ =	shalt  }
0x64: {  	_ =	shalt  }
0x65: {  	_ =	shalt  }
0x66: {  	_ =	shalt  }
0x67: {  	_ =	shalt  }
0x68: {  	_ =	shalt  }
0x69: {  	_ =	shalt  }
0x6a: {  	_ =	shalt  }
0x6b: {  	_ =	shalt  }
0x6c: {  	_ =	shalt  }
0x6d: {  	_ =	shalt  }
0x6e: {  	_ =	shalt  }
0x6f: {  	_ =	shalt  }
0x70: {  	_ =	shalt  }
0x71: {  	_ =	shalt  }
0x72: {  	_ =	shalt  }
0x73: {  	_ =	shalt  }
0x74: {  	_ =	shalt  }
0x75: {  	_ =	shalt  }
0x76: {  	_ =	shalt  }
0x77: {  	_ =	shalt  }
0x78: {  	_ =	shalt  }
0x79: {  	_ =	shalt  }
0x7a: {  	_ =	shalt  }
0x7b: {  	_ =	shalt  }
0x7c: {  	_ =	shalt  }
0x7d: {  	_ =	shalt  }
0x7e: {  	_ =	shalt  }
0x7f: {  	_ =	shalt  }
0x80: {  	_ =	shalt  }
0x81: {  	_ =	shalt  }
0x82: {  	_ =	shalt  }
0x83: {  	_ =	shalt  }
0x84: {  	_ =	shalt  }
0x85: {  	_ =	shalt  }
0x86: {  	_ =	shalt  }
0x87: {  	_ =	shalt  }
.Lfunc_end0:
.L_simem_size_0:
called_computation_lowered:
.L_overlay_start_0:
0x88: {  	s2 =	sld [smem:$0x3FD9]  }
0x89: {  	s3 =	sld [smem:$0x3FFE];
	_ =	sdelay $0x1  }
0x8a: {  	s1 =	srdreg.scid  }
0x8b: {  	s0 =	sand.u32 $0x1, s1  }
0x8c: {  	s15 =	sshll.u32 s0, $0xA;
	s2 =	sadd.s32 s3, s2  }
0x8d: {  	s2 =	sadd.s32 s2, s15  }
0x8e: {  	[smem:$0x3FC5] =	sst s2  }
0x8f: {  	_ = 	snop  }
0x90: {  	s2 =	sld [smem:$0x3FD0];
	_ =	sdelay $0x1  }
0x91: {  	s16 =	sld [smem:$0x3FC9]  }
0x92: {  	s5 =	simm.s32 $0xA;
	s6 =	simm.s32 $0x10;
	s4 =	sld [smem:$0x3FC8]  }
0x93: {  	[smem:s6], [sflag:s5] =	dma.local [hbm:s2], $0x1  }
0x94: {  	_ =	swait.eq [sflag:s5], $0x1  }
0x95: {  	[sflag:s5] =	ssyncset.done $0x0  }
0x96: {  	s17 =	sld [smem:$0x10];
	[sflag:s5] =	ssyncadd.s32 $0xFFFFFFFF  }
0x97: {  	s18 =	sld [smem:$0x11];
	(tm) =	ssettm $0x1  }
0x98: {  	s19 =	sld [smem:$0x3FFB];
	_ =	sdelay $0x3  }
0x99: {  	_ =	strace s19  }
0x9a: {  	s6 =	sld [smem:$0x3FFC];
	_ =	sdelay $0x3  }
0x9b: {  	_ =	strace s6  }
0x9c: {  	s6 =	sld [smem:$0x3FFD];
	_ =	sdelay $0x3  }
0x9d: {  	_ =	strace s6  }
0x9e: {  	_ =	strace $0x8FFFFFFF  }
0x9f: {  	s20 =	sld [smem:$0x3FDB];
	_ =	sdelay $0x1  }
0xa0: {  	s7 =	simm.s32 $_scs_section_size  }
0xa1: {  	s8 =	simm.s32 $_size__tile_overlayer_lowered;
	s9 =	simm.s32 $_tile_overlayer_lowered  }
0xa2: {  	s23 =	simm.s32 $0x1BFF;
	s22 =	sshll.u32 s9, $0x1;
	s6 =	sadd.s32 s7, s20  }
0xa3: {  	s10 =	simm.s32 $0x0;
	s21 =	sshll.u32 s8, $0x1;
	s8 =	sadd.s32 s22, s6  }
0xa4: {  	[timem:s10], [sflag:s23] =	dma.local [hbm:s8], s21  }
0xa5: {  	_ =	swait.ge [sflag:s23], s21  }
0xa6: {  	s7 =	ssub.s32 $0x0, s21;
	[sflag:s23] =	ssyncset.done $0x0  }
0xa7: {  	[sflag:s23] =	ssyncadd.s32 s7;
	_ =	sdelay $0x1  }
0xa8: {  	s24 =	simm.s32 $0x1B8B  }
0xa9: {  	_ =	swait.ge [sflag:s24], $0x1  }
0xaa: {  	[sflag:s24] =	ssyncset.done $0x0  }
0xab: {  	s25 =	simm.s32 $0x1B8E;
	[sflag:s24] =	ssyncadd.s32 $0xFFFFFFFF  }
0xac: {  	s26 =	simm.s32 $execute0_lowered;
	[smem:$0x3FD2] =	sst s25  }
0xad: {  	s7 =	sshll.u32 s26, $0x1;
	_ =	strace $0x80000046;
	[dreg:$0x1] =	wrdreg $0xFFFFFFFF  }
0xae: {  	s28 =	simm.s32 $_size_execute0_lowered;
	s6 =	sadd.s32 s6, s7;
	[dreg:$0x0] =	wrdreg $0x0  }
0xaf: {  	s7 =	sshll.u32 s28, $0x1;
	[dreg:$0x2] =	wrdreg s6  }
0xb0: {  	[dreg:$0x3] =	wrdreg s7  }
0xb1: {  	[dreg:$0x4] =	wrdreg $0xC0  }
0xb2: {  	_ =	task [dreg:s10], $0x5FFFF  }
0xb3: {  	[dreg:$0x1] =	wrdreg $0xFFFFFFFF  }
0xb4: {  	[dreg:$0x0] =	wrdreg $0x60  }
0xb5: {  	[dreg:$0x2] =	wrdreg s16  }
0xb6: {  	[dreg:$0x3] =	wrdreg s4  }
0xb7: {  	[dreg:$0x4] =	wrdreg s17  }
0xb8: {  	[dreg:$0x5] =	wrdreg s18  }
0xb9: {  	[dreg:$0x6] =	wrdreg $0x9  }
0xba: {  	_ =	task.clear_ibuf [dreg:s10], $0x7FFFF;
	_ =	strace $0x90000046  }
0xbb: {  	s29 =	simm.s32 $0x9;
	_ =	strace $0x80000048  }
0xbc: {  	_ =	swait.ge [sflag:s29], $0x1  }
0xbd: {  	[sflag:s29] =	ssyncadd.s32 $0xFFFFFFFF  }
0xbe: {  	_ =	strace $0x90000048  }
0xbf: {  	_ =	sfence  }
0xc0: {  	s30 =	sld [smem:$0x0];
	_ =	sdelay $0x2  }
0xc1: {  	s31 =	sshll.u32 s1, $0xD;
	s1 =	sshrl.u32 s1, $0x2  }
0xc2: {  	s3 =	sand.u32 $0x4000, s31;
	s1 =	sadd.s32 s1, s30  }
0xc3: {  	s0 =	sor.u32 s3, s0;
	s1 =	sshll.u32 s1, $0x11  }
0xc4: {  	s0 =	sor.u32 s1, s0  }
0xc5: {  	s0 =	sadd.s32 $0x8F2B, s0  }
0xc6: {  	[sflag:s0] =	ssyncadd.remote.s32 $0x1  }
0xc7: {  	_ =	sfence.sel $0xFFFF  }
0xc8: {  	[dreg:$0x0] =	wrdreg $0xFFFFFFFF;
	(pc) =	sbr.abs _section_cstart, $3  }
0xc9: {  	[dreg:$0x1] =	wrdreg $0xFFFFFFFF  }
0xca: {  	_ =	task.clear_ibuf [dreg:s10], $0x2FFFF;
	_ =	strace $0x9FFFFFFF  }
0xcb: {  	(tm) =	ssettm $0x7FFFFFFF  }
tec
execute0_lowered:
.L_overlay_start_1:
0x0: {  	(tag) =	ssettag $0x1  }
0x1: {  	s0 =	rddreg [dreg:$0x1]  }
0x2: {  	s2 =	rddreg [dreg:$0x2]  }
0x3: {  	s19 =	rddreg [dreg:$0x3]  }
0x4: {  	s5 =	srdreg.scid;
	s1 =	stileid.u32  }
0x5: {  	s3 =	simm.s32 $0x0;
	s5 =	sand.u32 $0x1, s5;
	s6 =	sshll.u32 s1, $0x1  }
0x6: {  	[smem:$0x7FF] =	sst s3;
	s26 =	sshll.u32 s1, $0x8;
	s6 =	sor.u32 s5, s6  }
0x7: {  	s7 =	ssub.s32 $0x2, s5;
	_ =	strace $0x80000047;
	s28 =	sshll.u32 s5, $0x7  }
0x8: {  	s8 =	sshll.u32 s6, $0x2;
	s9 =	smul.u32 $0x1400, s6;
	s10 =	sshrl.u32 s7, $0x1  }
0x9: {  	s11 =	smul.u32 $0x29400, s6;
	s13 =	sshll.u32 s6, $0xB;
	s14 =	sshll.u32 s6, $0x7  }
0xa: {  	s16 =	sshllo.u32 s6, $0x2;
	s12 =	sor.u32 $0x1, s8;
	s4 =	sadd.s32 s2, s13  }
0xb: {  	s7 =	ssub.s32 s7, s10;
	s29 =	sxor.u32 $0xFA0, s14;
	[dreg:$0xb] =	wrdreg s4  }
0xc: {  	s8 =	sor.u32 $0x2, s8;
	s3 =	sadd.s32 $0x200, s4;
	[dreg:$0x6] =	wrdreg s29  }
0xd: {  	s20 =	smul.u32 $0x500, s16;
	s17 =	sadd.s32 s0, s9;
	[dreg:$0xc] =	wrdreg s3  }
0xe: {  	s23 =	smul.u32 $0xA500, s16;
	s18 =	sadd.s32 s19, s11;
	[dreg:$0xd] =	wrdreg s17  }
0xf: {  	s31 =	smul.u32 $0x500, s12;
	s30 =	smax.u32 s7, $0x1;
	[dreg:$0xe] =	wrdreg s18  }
0x10: {  	s13 =	smul.u32 $0x500, s8;
	s25 =	sadd.s32 s19, s23;
	[dreg:$0x15] =	wrdreg s30  }
0x11: {  	s12 =	smul.u32 $0xA500, s12;
	s21 =	sadd.s32 s0, s31;
	[dreg:$0x14] =	wrdreg s25  }
0x12: {  	s2 =	sadd.s32 s0, s13;
	s0 =	sadd.s32 s0, s20;
	[dreg:$0xf] =	wrdreg s21  }
0x13: {  	s31 =	sshll.u32 s1, $0x6;
	[dreg:$0x13] =	wrdreg s0;
	s0 =	sor.u32 s28, s26  }
0x14: {  	p1 =	seq.s32 s6, $0x1F;
	[dreg:$0x5] =	wrdreg s0;
	s0 =	sor.u32 $0x1C11, s31  }
0x15: {  	s22 =	sadd.s32 s19, s12;
	[dreg:$0x16] =	wrdreg s0;
	s0 =	simm.s32 @!p1 $0x0  }
0x16: {  	p2 =	sgt.u32 s8, $0x7C;
	[dreg:$0x10] =	wrdreg s22;
	s0 =	simm.s32 @p1 $0x1  }
0x17: {  	s15 =	smul.u32 $0xA500, s8;
	[smem:$0x7FB] =	sst s0;
	s0 =	simm.s32 @!p2 $0x0  }
0x18: {  	p3 =	sgt.u32 s16, $0x7C;
	[dreg:$0x11] =	wrdreg s2;
	s0 =	simm.s32 @p2 $0x1  }
0x19: {  	s24 =	sadd.s32 s19, s15;
	[smem:$0x7FC] =	sst s0;
	s0 =	simm.s32 @!p3 $0x0  }
0x1a: {  	[dreg:$0x12] =	wrdreg s24;
	s0 =	simm.s32 @p3 $0x1  }
0x1b: {  	s2 =	simm.s32 $0x0;
	[smem:$0x7FD] =	sst s0  }
.LBB2_1:
0x1c: {  	[dreg:$0x17] =	wrdreg s2  }
0x1d: {  	s3 =	simm.s32 $0x0;
	s0 =	rddreg [dreg:$0xb];
	s1 =	simm.s32 $0x12  }
0x1e: {  	[tilespmem:s3], [sflag:$0x12] =	stream.linear.gather [hbm4b:s0+s3], $0x1000, $0x38;
	[tilespmem:$0x18000] =	vst v63  }
0x1f: {  	_ =	swait.ge [sflag:s1], $0x1000  }
0x20: {  	s2 =	simm.s32 @!p1 $0x1000;
	[sflag:s1] =	ssyncset.done $0x0  }
0x21: {  	s0 =	simm.s32 @!p1 $0x0;
	[sflag:s1] =	ssyncadd.s32 $0xFFFFF000;
	s1 =	rddreg [dreg:$0xc]  }
0x22: {  	[tilespmem:s2], [sflag:$0x12] =	stream.linear.gather @!p1 [hbm4b:s1+s0], $0x3000, $0x38;
	[tilespmem:$0x18000] =	vst v63  }
0x23: {  	s0 =	simm.s32 @!p1 $0x12  }
0x24: {  	_ =	swait.ge @!p1 [sflag:s0], $0x3000  }
0x25: {  	s8 =	simm.s32 $0x8;
	s2 =	rddreg [dreg:$0xd]  }
0x26: {  	s4 =	simm.s32 $0x1080;
	[sflag:s0] =	ssyncset.done @!p1 $0x0;
	s5 =	rddreg [dreg:$0xe]  }
0x27: {  	s7 =	simm.s32 $0x80;
	s6 =	rddreg [dreg:$0x16];
	[sflag:s0] =	ssyncadd.s32 @!p1 $0xFFFFD000  }
0x28: {  	[hbm:s5@s4], [sflag:s6] =	dma.strided [hbm:s2@s7], $0x500, s8, $0x10   }
0x29: {  	s0 =	simm.s32 @!p1 $0x8;
	s1 =	rddreg [dreg:$0xf]  }
0x2a: {  	s2 =	simm.s32 @!p1 $0x1080;
	s5 =	simm.s32 @!p1 $0x80;
	s4 =	rddreg [dreg:$0x10]  }
0x2b: {  	[hbm:s4@s2], [sflag:s6] =	dma.strided @!p1 [hbm:s1@s5], $0x500, s0, $0x10   }
0x2c: {  	s0 =	simm.s32 @!p2 $0x8;
	s1 =	rddreg [dreg:$0x11]  }
0x2d: {  	s2 =	simm.s32 @!p2 $0x1080;
	s5 =	simm.s32 @!p2 $0x80;
	s4 =	rddreg [dreg:$0x12]  }
0x2e: {  	[hbm:s4@s2], [sflag:s6] =	dma.strided @!p2 [hbm:s1@s5], $0x500, s0, $0x10   }
0x2f: {  	s9 =	simm.s32 $0x50;
	s0 =	simm.s32 @!p3 $0x8;
	s1 =	rddreg [dreg:$0x13]  }
0x30: {  	s2 =	simm.s32 @!p3 $0x1080;
	s5 =	simm.s32 @!p3 $0x80;
	s4 =	rddreg [dreg:$0x14]  }
0x31: {  	[hbm:s4@s2], [sflag:s6] =	dma.strided @!p3 [hbm:s1@s5], $0x500, s0, $0x10   }
0x32: {  	s10 =	simm.s32 $0x4000;
	s11 =	simm.s32 $0x6800;
	s1 =	rddreg [dreg:$0x0]  }
0x33: {  	s12 =	simm.s32 $0x100;
	s13 =	simm.s32 $0x9000;
	s21 =	rddreg [dreg:$0x5]  }
0x34: {  	[tilespmem:s10], [sflag:$0x1] =	stream.indirect.gather [hbm4b:s1+s9], $0x80, s3, s9, $0xb8;
	[tilespmem:$0x18000] =	vst v63  }
0x35: {  	s14 =	simm.s32 $0x180;
	s15 =	simm.s32 $0xB800;
	s2 =	sadd.s32 $0xF, s21  }
0x36: {  	s16 =	simm.s32 $0x200;
	s17 =	simm.s32 $0xE000;
	s0 =	sadd.s32 $0xFFFFFFF1, s2  }
0x37: {  	[tilespmem:s11], [sflag:$0x2] =	stream.indirect.gather [hbm4b:s1+s9], $0x80, s7, s9, $0xb8;
	[tilespmem:$0x18000] =	vst v63  }
0x38: {  	s18 =	simm.s32 $0x280;
	s20 =	simm.s32 $0x10800;
	p3 =	sgt.u32 s0, $0xF9F  }
0x39: {  	s22 =	simm.s32 $0x300;
	s23 =	simm.s32 $0x13000;
	s5 =	sand.u32 @!p3 $0x3, s3  }
0x3a: {  	[tilespmem:s13], [sflag:$0x3] =	stream.indirect.gather [hbm4b:s1+s9], $0x80, s12, s9, $0xb8;
	[tilespmem:$0x18000] =	vst v63  }
0x3b: {  	s24 =	simm.s32 $0x380;
	p1 =	seq.s32 @!p3 s2, $0xF;
	p2 =	sne.s32 @!p3 s5, $0x0  }
0x3c: {  	s25 =	simm.s32 $0x15800;
	s8 =	sadd.s32 $0xFFFFFFF3, s2;
	p1 =	por @!p3 !p2, !p1  }
0x3d: {  	[tilespmem:s15], [sflag:$0x4] =	stream.indirect.gather [hbm4b:s1+s9], $0x80, s14, s9, $0xb8;
	[tilespmem:$0x18000] =	vst v63  }
0x3e: {  	s7 =	sadd.s32 $0xFFFFFFF2, s2;
	s0 =	sshrl.u32 @!p3 s0, $0x5;
	p1 =	por @!p3 !p1, !p1  }
0x3f: {  	s6 =	simm.s32 @!p3 $0x0;
	s5 =	simm.s32 @!p3 $0x1;
	p1 =	por !p1, p3  }
0x40: {  	[tilespmem:s17], [sflag:$0x5] =	stream.indirect.gather [hbm4b:s1+s9], $0x80, s16, s9, $0xb8;
	[tilespmem:$0x18000] =	vst v63  }
0x41: {  	s10 =	simm.s32 @!p3 $0x8400;
	p0 =	sgt.u32 s7, $0xF9F;
	s5 =	simm.s32 @p1 $0x0  }
0x42: {  	s6 =	sand.u32 @!p3 $0x6000, s6;
	s3 =	simm.s32 @!p0 $0x0;
	s0 =	ssub.s32 @!p3 s0, s5  }
0x43: {  	[tilespmem:s20], [sflag:$0x6] =	stream.indirect.gather [hbm4b:s1+s9], $0x80, s18, s9, $0xb8;
	[tilespmem:$0x18000] =	vst v63  }
0x44: {  	s7 =	sshrl.u32 @!p0 s7, $0x5;
	s11 =	simm.s32 @!p0 $0x400;
	s0 =	smul.u32 @!p3 $0x50, s0  }
0x45: {  	[tilespmem:s23], [sflag:$0x7] =	stream.indirect.gather [hbm4b:s1+s9], $0x80, s22, s9, $0xb8;
	[tilespmem:$0x18000] =	vst v63  }
0x46: {  	s7 =	smul.u32 @!p0 $0x52800, s7;
	p2 =	sgt.u32 s8, $0xF9F;
	s5 =	sshrl.u32 @!p3 s0, $0x3  }
0x47: {  	s3 =	simm.s32 @p0 $0x1;
	s8 =	sshrl.u32 @!p2 s8, $0x5;
	s5 =	smul.u32 @!p3 $0x8400, s5  }
0x48: {  	[tilespmem:s25], [sflag:$0x8] =	stream.indirect.gather [hbm4b:s1+s9], $0x80, s24, s9, $0xb8;
	[tilespmem:$0x18000] =	vst v63  }
0x49: {  	s8 =	smul.u32 @!p2 $0x52800, s8;
	s9 =	simm.s32 @!p3 $0x1;
	s5 =	sadd.s32 @!p3 s6, s5  }
0x4a: {  	s0 =	simm.s32 $0x1C00;
	_ =	swait.ge @!p3 [sflag:s9], $0x2800;
	s5 =	sor.u32 @!p3 $0x400, s5  }
0x4b: {  	s6 =	simm.s32 @!p3 $0x4000;
	[sflag:s9] =	ssyncset.done @!p3 $0x0;
	s5 =	sshrl.u32 @!p3 s5, $0x3  }
0x4c: {  	[sflag:s9] =	ssyncadd.s32 @!p3 $0xFFFFD800;
	s9 =	simm.s32 @!p3 $0x400;
	s5 =	sadd.s32 @!p3 s19, s5  }
0x4d: {  	[hbm4b:s5+s9] =	stream.strided.scatter @!p3 [tilespmem:s6], [sflag:$0x9], $0x2800, s10, s9, $0x38;
	[tilespmem:$0x18000] =	vst v63  }
0x4e: {  	[smem:$0x7FA] =	sst s3;
	s5 =	sadd.s32 $0xFFFFFFF4, s2;
	s6 =	sand.u32 @!p0 $0x6400, s11  }
0x4f: {  	s9 =	simm.s32 @!p0 $0x2;
	s10 =	simm.s32 @!p0 $0x8400;
	s11 =	simm.s32 @!p2 $0x3  }
0x50: {  	s6 =	sadd.s32 @!p0 s7, s6;
	s7 =	simm.s32 @!p0 $0x6800;
	_ =	swait.ge @!p0 [sflag:s9], $0x2800  }
0x51: {  	p5 =	sgt.u32 s5, $0xF9F;
	s6 =	sshrl.u32 @!p0 s6, $0x3;
	[sflag:s9] =	ssyncset.done @!p0 $0x0  }
0x52: {  	s5 =	sshrl.u32 @!p5 s5, $0x5;
	s6 =	sadd.s32 @!p0 s19, s6;
	[sflag:s9] =	ssyncadd.s32 @!p0 $0xFFFFD800  }
0x53: {  	s9 =	simm.s32 @!p0 $0x400;
	s5 =	smul.u32 @!p5 $0x52800, s5;
	s6 =	sadd.s32 @!p0 $0x80, s6  }
0x54: {  	[hbm4b:s6+s9] =	stream.strided.scatter @!p0 [tilespmem:s7], [sflag:$0xA], $0x2800, s10, s9, $0x38;
	[tilespmem:$0x18000] =	vst v63  }
0x55: {  	s6 =	sadd.s32 $0xFFFFFFF5, s2;
	s7 =	simm.s32 @!p2 $0x800;
	s9 =	sadd.s32 $0xFFFFFFF6, s2  }
0x56: {  	s10 =	simm.s32 @!p2 $0x400;
	s7 =	sand.u32 @!p2 $0x6800, s7;
	_ =	swait.ge @!p2 [sflag:s11], $0x2800  }
0x57: {  	p1 =	sgt.u32 s6, $0xF9F;
	p6 =	sgt.u32 s9, $0xF9F;
	s7 =	sadd.s32 @!p2 s7, s8  }
0x58: {  	s8 =	simm.s32 @!p2 $0x8400;
	[sflag:s11] =	ssyncset.done @!p2 $0x0;
	s6 =	sshrl.u32 @!p1 s6, $0x5  }
0x59: {  	s9 =	sshrl.u32 @!p6 s9, $0x5;
	s3 =	simm.s32 @!p6 $0x0;
	s7 =	sor.u32 @!p2 $0x400, s7  }
0x5a: {  	[sflag:s11] =	ssyncadd.s32 @!p2 $0xFFFFD800;
	s6 =	smul.u32 @!p1 $0x52800, s6;
	s7 =	sshrl.u32 @!p2 s7, $0x3  }
0x5b: {  	s11 =	simm.s32 @!p2 $0x9000;
	s9 =	smul.u32 @!p6 $0x52800, s9;
	s7 =	sadd.s32 @!p2 s19, s7  }
0x5c: {  	[hbm4b:s7+s10] =	stream.strided.scatter @!p2 [tilespmem:s11], [sflag:$0xB], $0x2800, s8, s10, $0x38;
	[tilespmem:$0x18000] =	vst v63  }
0x5d: {  	s3 =	simm.s32 @p6 $0x1;
	s7 =	sadd.s32 $0xFFFFFFF7, s2;
	s8 =	simm.s32 @!p5 $0xC00  }
0x5e: {  	s2 =	sadd.s32 $0xFFFFFFF8, s2;
	s10 =	simm.s32 @!p5 $0x8400;
	s11 =	simm.s32 @!p5 $0xB800  }
0x5f: {  	s8 =	sand.u32 @!p5 $0x6C00, s8;
	p4 =	sgt.u32 s2, $0xF9F;
	p0 =	sgt.u32 s7, $0xF9F  }
0x60: {  	s5 =	sadd.s32 @!p5 s5, s8;
	s8 =	simm.s32 @!p5 $0x4;
	s2 =	sshrl.u32 @!p4 s2, $0x5  }
0x61: {  	s7 =	sshrl.u32 @!p0 s7, $0x5;
	s5 =	sshrl.u32 @!p5 s5, $0x3;
	_ =	swait.ge @!p5 [sflag:s8], $0x2800  }
0x62: {  	s2 =	smul.u32 @!p4 $0x52800, s2;
	s5 =	sadd.s32 @!p5 s19, s5;
	[sflag:s8] =	ssyncset.done @!p5 $0x0  }
0x63: {  	s5 =	sadd.s32 @!p5 $0x80, s5;
	[sflag:s8] =	ssyncadd.s32 @!p5 $0xFFFFD800;
	s8 =	simm.s32 @!p5 $0x400  }
0x64: {  	[hbm4b:s5+s8] =	stream.strided.scatter @!p5 [tilespmem:s11], [sflag:$0xC], $0x2800, s10, s8, $0x38;
	[tilespmem:$0x18000] =	vst v63  }
0x65: {  	s0 =	sand.u32 @!p4 $0x7C00, s0;
	s7 =	smul.u32 @!p0 $0x52800, s7;
	s5 =	simm.s32 @!p1 $0x1000  }
0x66: {  	s0 =	sadd.s32 @!p4 s2, s0;
	s10 =	simm.s32 @!p1 $0x8400;
	s5 =	sand.u32 @!p1 $0x7000, s5  }
0x67: {  	s11 =	simm.s32 @!p1 $0xE000;
	s5 =	sadd.s32 @!p1 s5, s6;
	s6 =	simm.s32 @!p1 $0x5  }
0x68: {  	s0 =	sshrl.u32 @!p4 s0, $0x3;
	s5 =	sor.u32 @!p1 $0x400, s5;
	_ =	swait.ge @!p1 [sflag:s6], $0x2800  }
0x69: {  	s0 =	sadd.s32 @!p4 s19, s0;
	s5 =	sshrl.u32 @!p1 s5, $0x3;
	[sflag:s6] =	ssyncset.done @!p1 $0x0  }
0x6a: {  	[sflag:s6] =	ssyncadd.s32 @!p1 $0xFFFFD800;
	s6 =	simm.s32 @!p1 $0x400;
	s5 =	sadd.s32 @!p1 s19, s5  }
0x6b: {  	[hbm4b:s5+s6] =	stream.strided.scatter @!p1 [tilespmem:s11], [sflag:$0xD], $0x2800, s10, s6, $0x38;
	[tilespmem:$0x18000] =	vst v63  }
0x6c: {  	s8 =	simm.s32 @!p6 $0x400;
	s0 =	sadd.s32 @!p4 $0x80, s0;
	s11 =	simm.s32 @!p6 $0x1400  }
0x6d: {  	s5 =	simm.s32 @!p6 $0x6;
	s6 =	simm.s32 @!p6 $0x8400;
	s2 =	sand.u32 @!p6 $0x7400, s11  }
0x6e: {  	s10 =	simm.s32 @!p6 $0x10800;
	_ =	swait.ge @!p6 [sflag:s5], $0x2800;
	s2 =	sadd.s32 @!p6 s9, s2  }
0x6f: {  	s9 =	simm.s32 @!p0 $0x1800;
	[sflag:s5] =	ssyncset.done @!p6 $0x0;
	[smem:$0x7F7] =	sst s3  }
0x70: {  	s3 =	simm.s32 @!p0 $0x0;
	s2 =	sshrl.u32 @!p6 s2, $0x3;
	s9 =	sand.u32 @!p0 $0x7800, s9  }
0x71: {  	[sflag:s5] =	ssyncadd.s32 @!p6 $0xFFFFD800;
	s2 =	sadd.s32 @!p6 s19, s2;
	s7 =	sadd.s32 @!p0 s9, s7  }
0x72: {  	s5 =	simm.s32 @!p0 $0x7;
	s2 =	sadd.s32 @!p6 $0x80, s2;
	s7 =	sor.u32 @!p0 $0x400, s7  }
0x73: {  	[hbm4b:s2+s8] =	stream.strided.scatter @!p6 [tilespmem:s10], [sflag:$0xE], $0x2800, s6, s8, $0x38;
	[tilespmem:$0x18000] =	vst v63  }
0x74: {  	s3 =	simm.s32 @p0 $0x1;
	s7 =	sshrl.u32 @!p0 s7, $0x3;
	s6 =	simm.s32 @!p0 $0x8400  }
0x75: {  	s8 =	simm.s32 @!p0 $0x400;
	s2 =	sadd.s32 @!p0 s19, s7;
	_ =	swait.ge @!p0 [sflag:s5], $0x2800  }
0x76: {  	s7 =	simm.s32 @!p4 $0x8;
	[sflag:s5] =	ssyncset.done @!p0 $0x0;
	[smem:$0x7F8] =	sst s3  }
0x77: {  	s3 =	simm.s32 @!p4 $0x0;
	[sflag:s5] =	ssyncadd.s32 @!p0 $0xFFFFD800;
	s5 =	simm.s32 @!p0 $0x13000  }
0x78: {  	[hbm4b:s2+s8] =	stream.strided.scatter @!p0 [tilespmem:s5], [sflag:$0xF], $0x2800, s6, s8, $0x38;
	[tilespmem:$0x18000] =	vst v63  }
0x79: {  	s3 =	simm.s32 @p4 $0x1;
	s2 =	simm.s32 @!p3 $0x9;
	_ =	swait.ge @!p4 [sflag:s7], $0x2800  }
0x7a: {  	s5 =	simm.s32 @!p4 $0x15800;
	s6 =	simm.s32 @!p4 $0x400;
	[sflag:s7] =	ssyncset.done @!p4 $0x0  }
0x7b: {  	[smem:$0x7F9] =	sst s3;
	[sflag:s7] =	ssyncadd.s32 @!p4 $0xFFFFD800;
	s7 =	simm.s32 @!p4 $0x8400  }
0x7c: {  	[hbm4b:s0+s6] =	stream.strided.scatter @!p4 [tilespmem:s5], [sflag:$0x10], $0x2800, s7, s6, $0x38;
	[tilespmem:$0x18000] =	vst v63  }
0x7d: {  	_ =	swait.ge @!p3 [sflag:s2], $0x2800  }
0x7e: {  	s3 =	rddreg [dreg:$0x6]  }
0x7f: {  	p4 =	por $0x0, $0x0;
	s26 =	sld [smem:$0x7FA]  }
0x80: {  	[sflag:s2] =	ssyncset.done @!p3 $0x0;
	p0 =	sle.u32 @!p4 s3, $0x8  }
0x81: {  	s28 =	simm.s32 $0x400;
	[sflag:s2] =	ssyncadd.s32 @!p3 $0xFFFFD800;
	p0 =	por p0, p4  }
0x82: {  	s0 =	simm.s32 @!p0 $0x50;
	s2 =	simm.s32 @!p0 $0x4000;
	p3 =	seq.s32 s26, $0x1  }
0x83: {  	[tilespmem:s2], [sflag:$0x1] =	stream.indirect.gather @!p0 [hbm4b:s1+s0], $0x80, s28, s0, $0xb8;
	[tilespmem:$0x18000] =	vst v63  }
0x84: {  	s0 =	simm.s32 @!p3 $0xA;
	p0 =	sle.u32 @!p4 s3, $0x9  }
0x85: {  	_ =	swait.ge @!p3 [sflag:s0], $0x2800;
	p0 =	por p0, p4  }
0x86: {  	[sflag:s0] =	ssyncset.done @!p3 $0x0;
	s2 =	simm.s32 @!p0 $0x480  }
0x87: {  	s5 =	simm.s32 @!p0 $0x50;
	[sflag:s0] =	ssyncadd.s32 @!p3 $0xFFFFD800;
	s0 =	simm.s32 @!p0 $0x6800  }
0x88: {  	[tilespmem:s0], [sflag:$0x2] =	stream.indirect.gather @!p0 [hbm4b:s1+s5], $0x80, s2, s5, $0xb8;
	[tilespmem:$0x18000] =	vst v63  }
0x89: {  	s0 =	simm.s32 @!p2 $0xB;
	p0 =	sle.u32 @!p4 s3, $0xA  }
0x8a: {  	s29 =	simm.s32 $0xF;
	_ =	swait.ge @!p2 [sflag:s0], $0x2800;
	p0 =	por p0, p4  }
0x8b: {  	s30 =	simm.s32 $0x17;
	[sflag:s0] =	ssyncset.done @!p2 $0x0;
	s2 =	simm.s32 @!p0 $0x500  }
0x8c: {  	s5 =	simm.s32 @!p0 $0x50;
	[sflag:s0] =	ssyncadd.s32 @!p2 $0xFFFFD800;
	s0 =	simm.s32 @!p0 $0x9000  }
0x8d: {  	[tilespmem:s0], [sflag:$0x3] =	stream.indirect.gather @!p0 [hbm4b:s1+s5], $0x80, s2, s5, $0xb8;
	[tilespmem:$0x18000] =	vst v63  }
0x8e: {  	s31 =	simm.s32 $0x800;
	s0 =	simm.s32 @!p5 $0xC;
	p0 =	sle.u32 @!p4 s3, $0xB  }
0x8f: {  	s9 =	simm.s32 $0xE;
	_ =	swait.ge @!p5 [sflag:s0], $0x2800;
	p0 =	por p0, p4  }
0x90: {  	s7 =	simm.s32 $0xD;
	[sflag:s0] =	ssyncset.done @!p5 $0x0;
	s2 =	simm.s32 @!p0 $0x580  }
0x91: {  	s5 =	simm.s32 @!p0 $0x50;
	[sflag:s0] =	ssyncadd.s32 @!p5 $0xFFFFD800;
	s0 =	simm.s32 @!p0 $0xB800  }
0x92: {  	[tilespmem:s0], [sflag:$0x4] =	stream.indirect.gather @!p0 [hbm4b:s1+s5], $0x80, s2, s5, $0xb8;
	[tilespmem:$0x18000] =	vst v63  }
0x93: {  	p2 =	por p1, p1;
	s0 =	simm.s32 $0x1;
	p0 =	sle.u32 @!p4 s3, $0xC  }
0x94: {  	s2 =	simm.s32 $0x3C00;
	s5 =	simm.s32 @!p1 $0xD;
	p0 =	por p0, p4  }
.LBB2_2:
0x95: {  	_ =	swait.ge @!p2 [sflag:s5], $0x2800  }
0x96: {  	s1 =	sld [smem:$0x7F7]  }
0x97: {  	s6 =	simm.s32 @!p0 $0xE000  }
0x98: {  	s8 =	simm.s32 @!p0 $0x50;
	s20 =	rddreg [dreg:$0x6];
	[sflag:s5] =	ssyncset.done @!p2 $0x0  }
0x99: {  	p1 =	sge.u32 @!p4 s7, s20;
	[sflag:s5] =	ssyncadd.s32 @!p2 $0xFFFFD800;
	p3 =	seq.s32 s1, $0x1  }
0x9a: {  	s7 =	sadd.s32 @!p0 $0x200, s28;
	s1 =	rddreg [dreg:$0x0];
	s5 =	simm.s32 @!p3 $0xE  }
0x9b: {  	[tilespmem:s6], [sflag:$0x5] =	stream.indirect.gather @!p0 [hbm4b:s1+s8], $0x80, s7, s8, $0xb8;
	[tilespmem:$0x18000] =	vst v63  }
0x9c: {  	p2 =	por p1, p4;
	_ =	swait.ge @!p3 [sflag:s5], $0x2800  }
0x9d: {  	s6 =	simm.s32 @!p2 $0x10800;
	[sflag:s5] =	ssyncset.done @!p3 $0x0;
	s3 =	sld [smem:$0x7F8]  }
0x9e: {  	s7 =	sadd.s32 @!p2 $0x280, s28;
	s8 =	simm.s32 @!p2 $0x50;
	[sflag:s5] =	ssyncadd.s32 @!p3 $0xFFFFD800  }
0x9f: {  	[tilespmem:s6], [sflag:$0x6] =	stream.indirect.gather @!p2 [hbm4b:s1+s8], $0x80, s7, s8, $0xb8;
	[tilespmem:$0x18000] =	vst v63  }
0xa0: {  	p0 =	sge.u32 @!p4 s9, s20;
	p3 =	seq.s32 s3, $0x1  }
0xa1: {  	p1 =	por p0, p4;
	s5 =	simm.s32 @!p3 $0xF  }
0xa2: {  	p0 =	sge.u32 @!p4 s29, s20;
	s29 =	smov.u32 s30;
	_ =	swait.ge @!p3 [sflag:s5], $0x2800  }
0xa3: {  	s6 =	simm.s32 @!p1 $0x13000;
	[sflag:s5] =	ssyncset.done @!p3 $0x0;
	s10 =	sld [smem:$0x7F9]  }
0xa4: {  	s7 =	sadd.s32 @!p1 $0x300, s28;
	s8 =	simm.s32 @!p1 $0x50;
	[sflag:s5] =	ssyncadd.s32 @!p3 $0xFFFFD800  }
0xa5: {  	[tilespmem:s6], [sflag:$0x7] =	stream.indirect.gather @!p1 [hbm4b:s1+s8], $0x80, s7, s8, $0xb8;
	[tilespmem:$0x18000] =	vst v63  }
0xa6: {  	s30 =	sadd.s32 $0x8, s30;
	p0 =	por p0, p4;
	p2 =	seq.s32 s10, $0x1  }
0xa7: {  	s12 =	sadd.s32 $0xFFFFFFFF, s29;
	s13 =	sadd.s32 $0xFFFFFFFD, s29;
	s5 =	simm.s32 @!p2 $0x10  }
0xa8: {  	s15 =	sadd.s32 $0xFFFFFFFE, s29;
	s9 =	sadd.s32 @!p0 $0x380, s28;
	_ =	swait.ge @!p2 [sflag:s5], $0x2800  }
0xa9: {  	s6 =	simm.s32 @!p0 $0x50;
	[dreg:$0x9] =	wrdreg s12;
	[sflag:s5] =	ssyncset.done @!p2 $0x0  }
0xaa: {  	s7 =	simm.s32 @!p0 $0x15800;
	s11 =	rddreg [dreg:$0x5];
	[sflag:s5] =	ssyncadd.s32 @!p2 $0xFFFFD800  }
0xab: {  	[tilespmem:s7], [sflag:$0x8] =	stream.indirect.gather @!p0 [hbm4b:s1+s6], $0x80, s9, s6, $0xb8;
	[tilespmem:$0x18000] =	vst v63  }
0xac: {  	[dreg:$0x8] =	wrdreg s13;
	s6 =	sadd.s32 s29, s11;
	p0 =	sne.s32 s30, $0x8F  }
0xad: {  	[dreg:$0x7] =	wrdreg s15;
	s1 =	simm.s32 @!p0 $0x0;
	s7 =	sadd.s32 $0xFFFFFFF1, s6  }
0xae: {  	s16 =	sadd.s32 $0xFFFFFFF2, s6;
	s24 =	sadd.s32 $0xFFFFFFF3, s6;
	s21 =	sadd.s32 $0xFFFFFFF4, s6  }
0xaf: {  	s5 =	sadd.s32 $0xFFFFFFF5, s6;
	s10 =	sadd.s32 $0xFFFFFFF6, s6;
	s14 =	sadd.s32 $0xFFFFFFF8, s6  }
0xb0: {  	s1 =	simm.s32 @p0 $0x1;
	p1 =	sgt.u32 s7, $0xF9F;
	p4 =	sgt.u32 s21, $0xF9F  }
0xb1: {  	p5 =	sgt.u32 s10, $0xF9F;
	p3 =	sgt.u32 s16, $0xF9F;
	p6 =	sgt.u32 s14, $0xF9F  }
0xb2: {  	[smem:$0x7F6] =	sst s1;
	s7 =	sshrl.u32 @!p1 s7, $0x5;
	p0 =	seq.s32 @!p1 s6, $0xF  }
0xb3: {  	s8 =	sand.u32 @!p1 $0x3, s0;
	s4 =	simm.s32 @!p1 $0x1;
	s11 =	simm.s32 @!p1 $0x1  }
0xb4: {  	s17 =	simm.s32 @!p1 $0x8400;
	s1 =	simm.s32 @!p5 $0x400;
	p2 =	sne.s32 @!p1 s8, $0x0  }
0xb5: {  	s25 =	simm.s32 @!p1 $0x4000;
	s22 =	simm.s32 @!p1 $0x400;
	p0 =	por @!p1 !p2, !p0  }
0xb6: {  	s3 =	simm.s32 @!p3 $0x2;
	s23 =	simm.s32 @!p3 $0x6800;
	p0 =	por @!p1 !p0, !p0  }
0xb7: {  	s14 =	sshrl.u32 @!p6 s14, $0x5;
	s8 =	sadd.s32 @!p1 $0xFFFFE400, s2;
	p0 =	por !p0, p1  }
0xb8: {  	[dreg:$0xa] =	wrdreg s1;
	s9 =	sand.u32 @!p1 $0x6000, s8;
	s11 =	simm.s32 @p0 $0x0  }
0xb9: {  	s8 =	sadd.s32 $0xFFFFFFF7, s6;
	s6 =	smov.u32 s2;
	s7 =	ssub.s32 @!p1 s7, s11  }
0xba: {  	p2 =	sgt.u32 s5, $0xF9F;
	_ =	swait.ge @!p1 [sflag:s4], $0x2800;
	s7 =	smul.u32 @!p1 $0x50, s7  }
0xbb: {  	[sflag:s4] =	ssyncset.done @!p1 $0x0;
	s1 =	sshrl.u32 @!p2 s5, $0x5;
	s5 =	sshrl.u32 @!p3 s16, $0x5  }
0xbc: {  	s26 =	sadd.s32 @!p3 $0xFFFFE800, s6;
	s15 =	smul.u32 @!p3 $0x52800, s5;
	s7 =	sshrl.u32 @!p1 s7, $0x3  }
0xbd: {  	[sflag:s4] =	ssyncadd.s32 @!p1 $0xFFFFD800;
	s26 =	sand.u32 @!p3 $0x6400, s26;
	s12 =	smul.u32 @!p1 $0x8400, s7  }
0xbe: {  	s5 =	simm.s32 @!p3 $0x8400;
	s1 =	smul.u32 @!p2 $0x52800, s1;
	p0 =	sgt.u32 s24, $0xF9F  }
0xbf: {  	s16 =	simm.s32 @!p0 $0x400;
	s24 =	sshrl.u32 @!p0 s24, $0x5;
	s12 =	sadd.s32 @!p1 s9, s12  }
0xc0: {  	s26 =	sadd.s32 @!p3 s15, s26;
	s11 =	smov.u32 s19;
	s13 =	sor.u32 @!p1 $0x400, s12  }
0xc1: {  	s7 =	simm.s32 @!p0 $0x8400;
	s9 =	simm.s32 @!p5 $0x6;
	s18 =	sshrl.u32 @!p1 s13, $0x3  }
0xc2: {  	s12 =	simm.s32 @!p2 $0xE000;
	s13 =	simm.s32 @!p2 $0x5;
	s4 =	sadd.s32 @!p1 s19, s18  }
0xc3: {  	[hbm4b:s4+s22] =	stream.strided.scatter @!p1 [tilespmem:s25], [sflag:$0x9], $0x2800, s17, s22, $0x38;
	[tilespmem:$0x18000] =	vst v63  }
0xc4: {  	s18 =	sadd.s32 @!p2 $0xFFFFF400, s6;
	s19 =	sadd.s32 @!p0 $0xFFFFEC00, s6;
	s4 =	sshrl.u32 @!p3 s26, $0x3  }
0xc5: {  	s17 =	simm.s32 @!p0 $0x3;
	s19 =	sand.u32 @!p0 $0x6800, s19;
	s22 =	smul.u32 @!p0 $0x52800, s24  }
0xc6: {  	s24 =	sshrl.u32 @!p4 s21, $0x5;
	s21 =	simm.s32 @!p4 $0x8400;
	s18 =	sand.u32 @!p2 $0x7000, s18  }
0xc7: {  	s25 =	simm.s32 @!p0 $0x0;
	_ =	swait.ge @!p3 [sflag:s3], $0x2800;
	s4 =	sadd.s32 @!p3 s11, s4  }
0xc8: {  	s25 =	simm.s32 @p0 $0x1;
	s1 =	sadd.s32 @!p2 s18, s1;
	s18 =	simm.s32 @!p2 $0x400  }
0xc9: {  	[sflag:s3] =	ssyncset.done @!p3 $0x0;
	s4 =	sadd.s32 @!p3 $0x80, s4;
	s19 =	sadd.s32 @!p0 s19, s22  }
0xca: {  	s22 =	smul.u32 @!p4 $0x52800, s24;
	s24 =	sadd.s32 @!p4 $0xFFFFF000, s6;
	[smem:$0x7F4] =	sst s25  }
0xcb: {  	s25 =	simm.s32 @!p3 $0x400;
	s1 =	sor.u32 @!p2 $0x400, s1;
	s19 =	sor.u32 @!p0 $0x400, s19  }
0xcc: {  	s24 =	sand.u32 @!p4 $0x6C00, s24;
	[sflag:s3] =	ssyncadd.s32 @!p3 $0xFFFFD800;
	s1 =	sshrl.u32 @!p2 s1, $0x3  }
0xcd: {  	s19 =	sshrl.u32 @!p0 s19, $0x3;
	s3 =	sadd.s32 @!p4 s22, s24;
	s24 =	simm.s32 @!p4 $0x0  }
0xce: {  	[hbm4b:s4+s25] =	stream.strided.scatter @!p3 [tilespmem:s23], [sflag:$0xA], $0x2800, s5, s25, $0x38;
	[tilespmem:$0x18000] =	vst v63  }
0xcf: {  	s22 =	simm.s32 @!p4 $0xB800;
	s4 =	simm.s32 @!p4 $0x4;
	s24 =	simm.s32 @p4 $0x1  }
0xd0: {  	s5 =	smul.u32 @!p6 $0x52800, s14;
	s14 =	simm.s32 @!p5 $0x0;
	[smem:$0x7F5] =	sst s24  }
0xd1: {  	s23 =	simm.s32 @!p5 $0x10800;
	s1 =	sadd.s32 @!p2 s11, s1;
	_ =	swait.ge @!p0 [sflag:s17], $0x2800  }
0xd2: {  	s3 =	sshrl.u32 @!p4 s3, $0x3;
	s19 =	sadd.s32 @!p0 s11, s19;
	[sflag:s17] =	ssyncset.done @!p0 $0x0  }
0xd3: {  	s14 =	simm.s32 @p5 $0x1;
	[sflag:s17] =	ssyncadd.s32 @!p0 $0xFFFFD800;
	s17 =	simm.s32 @!p0 $0x9000  }
0xd4: {  	[hbm4b:s19+s16] =	stream.strided.scatter @!p0 [tilespmem:s17], [sflag:$0xB], $0x2800, s7, s16, $0x38;
	[tilespmem:$0x18000] =	vst v63  }
0xd5: {  	s24 =	sand.u32 @!p6 $0x7C00, s6;
	s3 =	sadd.s32 @!p4 s11, s3;
	s17 =	sld [smem:$0x7F5]  }
0xd6: {  	s3 =	sadd.s32 @!p4 $0x80, s3;
	p4 =	sgt.u32 s8, $0xF9F;
	s5 =	sadd.s32 @!p6 s5, s24  }
0xd7: {  	[smem:$0x7F7] =	sst s14;
	s14 =	simm.s32 @!p5 $0x8400;
	s5 =	sshrl.u32 @!p6 s5, $0x3  }
0xd8: {  	s8 =	sshrl.u32 @!p4 s8, $0x5;
	s7 =	sshrl.u32 @!p5 s10, $0x5;
	p0 =	seq.s32 s17, $0x1  }
0xd9: {  	s10 =	sadd.s32 @!p5 $0xFFFFF800, s6;
	s6 =	sadd.s32 @!p4 $0xFFFFFC00, s6;
	_ =	swait.ge @!p0 [sflag:s4], $0x2800  }
0xda: {  	s7 =	smul.u32 @!p5 $0x52800, s7;
	s6 =	sand.u32 @!p4 $0x7800, s6;
	[sflag:s4] =	ssyncset.done @!p0 $0x0  }
0xdb: {  	s16 =	simm.s32 @!p0 $0x400;
	[sflag:s4] =	ssyncadd.s32 @!p0 $0xFFFFD800;
	s4 =	sand.u32 @!p5 $0x7400, s10  }
0xdc: {  	[hbm4b:s3+s16] =	stream.strided.scatter @!p0 [tilespmem:s22], [sflag:$0xC], $0x2800, s21, s16, $0x38;
	[tilespmem:$0x18000] =	vst v63  }
0xdd: {  	s3 =	sadd.s32 @!p5 s7, s4;
	s4 =	smul.u32 @!p4 $0x52800, s8;
	_ =	swait.ge @!p2 [sflag:s13], $0x2800  }
0xde: {  	s7 =	simm.s32 @!p2 $0x8400;
	s3 =	sshrl.u32 @!p5 s3, $0x3;
	[sflag:s13] =	ssyncset.done @!p2 $0x0  }
0xdf: {  	s3 =	sadd.s32 @!p5 s11, s3;
	s4 =	sadd.s32 @!p4 s6, s4;
	[sflag:s13] =	ssyncadd.s32 @!p2 $0xFFFFD800  }
0xe0: {  	[hbm4b:s1+s18] =	stream.strided.scatter @!p2 [tilespmem:s12], [sflag:$0xD], $0x2800, s7, s18, $0x38;
	[tilespmem:$0x18000] =	vst v63  }
0xe1: {  	s19 =	smov.u32 s11;
	s3 =	sadd.s32 @!p5 $0x80, s3;
	s1 =	sor.u32 @!p4 $0x400, s4  }
0xe2: {  	s4 =	sadd.s32 @!p6 s11, s5;
	_ =	swait.ge @!p5 [sflag:s9], $0x2800;
	s1 =	sshrl.u32 @!p4 s1, $0x3  }
0xe3: {  	s5 =	simm.s32 @!p4 $0x7;
	[sflag:s9] =	ssyncset.done @!p5 $0x0;
	s1 =	sadd.s32 @!p4 s11, s1  }
0xe4: {  	s7 =	rddreg [dreg:$0xa];
	s11 =	simm.s32 @!p4 $0x0;
	[sflag:s9] =	ssyncadd.s32 @!p5 $0xFFFFD800  }
0xe5: {  	[hbm4b:s3+s7] =	stream.strided.scatter @!p5 [tilespmem:s23], [sflag:$0xE], $0x2800, s14, s7, $0x38;
	[tilespmem:$0x18000] =	vst v63  }
0xe6: {  	s8 =	simm.s32 @!p4 $0x400;
	s11 =	simm.s32 @p4 $0x1;
	_ =	swait.ge @!p4 [sflag:s5], $0x2800  }
0xe7: {  	s3 =	simm.s32 @!p4 $0x8400;
	s7 =	simm.s32 @!p6 $0x8;
	[sflag:s5] =	ssyncset.done @!p4 $0x0  }
0xe8: {  	[smem:$0x7F8] =	sst s11;
	[sflag:s5] =	ssyncadd.s32 @!p4 $0xFFFFD800;
	s5 =	simm.s32 @!p4 $0x13000  }
0xe9: {  	[hbm4b:s1+s8] =	stream.strided.scatter @!p4 [tilespmem:s5], [sflag:$0xF], $0x2800, s3, s8, $0x38;
	[tilespmem:$0x18000] =	vst v63  }
0xea: {  	s4 =	sadd.s32 @!p6 $0x80, s4;
	s1 =	sadd.s32 $0xFFFFFFF9, s29;
	_ =	swait.ge @!p6 [sflag:s7], $0x2800  }
0xeb: {  	p4 =	seq.s32 s29, $0x87;
	s3 =	simm.s32 @!p6 $0x15800;
	[sflag:s7] =	ssyncset.done @!p6 $0x0  }
0xec: {  	s5 =	simm.s32 @!p6 $0x8400;
	[sflag:s7] =	ssyncadd.s32 @!p6 $0xFFFFD800;
	s7 =	simm.s32 @!p6 $0x0  }
0xed: {  	p5 =	sge.u32 @!p4 s1, s20;
	s1 =	simm.s32 @!p6 $0x400;
	s7 =	simm.s32 @p6 $0x1  }
0xee: {  	[hbm4b:s4+s1] =	stream.strided.scatter @!p6 [tilespmem:s3], [sflag:$0x10], $0x2800, s5, s1, $0x38;
	[tilespmem:$0x18000] =	vst v63  }
0xef: {  	s10 =	simm.s32 @!p1 $0x9;
	[smem:$0x7F9] =	sst s7  }
0xf0: {  	s28 =	smov.u32 s31;
	_ =	swait.ge @!p1 [sflag:s10], $0x2800  }
0xf1: {  	s9 =	sadd.s32 $0xFFFFFFFA, s29;
	p6 =	por p5, p4;
	[sflag:s10] =	ssyncset.done @!p1 $0x0  }
0xf2: {  	p5 =	sge.u32 @!p4 s9, s20;
	s4 =	simm.s32 @!p3 $0xA;
	[sflag:s10] =	ssyncadd.s32 @!p1 $0xFFFFD800  }
0xf3: {  	s1 =	simm.s32 @!p6 $0x50;
	s3 =	simm.s32 @!p6 $0x4000;
	s7 =	rddreg [dreg:$0x0]  }
0xf4: {  	[tilespmem:s3], [sflag:$0x1] =	stream.indirect.gather @!p6 [hbm4b:s7+s1], $0x80, s28, s1, $0xb8;
	[tilespmem:$0x18000] =	vst v63  }
0xf5: {  	p5 =	por p5, p4;
	s9 =	rddreg [dreg:$0x9];
	_ =	swait.ge @!p3 [sflag:s4], $0x2800  }
0xf6: {  	s5 =	simm.s32 @!p5 $0x50;
	[sflag:s4] =	ssyncset.done @!p3 $0x0;
	s24 =	sld [smem:$0x7F4]  }
0xf7: {  	s1 =	simm.s32 @!p5 $0x6800;
	s3 =	sadd.s32 @!p5 $0x80, s28;
	[sflag:s4] =	ssyncadd.s32 @!p3 $0xFFFFD800  }
0xf8: {  	[tilespmem:s1], [sflag:$0x2] =	stream.indirect.gather @!p5 [hbm4b:s7+s5], $0x80, s3, s5, $0xb8;
	[tilespmem:$0x18000] =	vst v63  }
0xf9: {  	s6 =	sadd.s32 $0xFFFFFFFB, s29;
	p1 =	seq.s32 s24, $0x1  }
0xfa: {  	p0 =	sge.u32 @!p4 s6, s20;
	s4 =	simm.s32 @!p1 $0xB  }
0xfb: {  	p0 =	por p0, p4;
	_ =	swait.ge @!p1 [sflag:s4], $0x2800  }
0xfc: {  	s1 =	simm.s32 @!p0 $0x9000;
	[sflag:s4] =	ssyncset.done @!p1 $0x0;
	s25 =	sld [smem:$0x7F5]  }
0xfd: {  	s3 =	sadd.s32 @!p0 $0x100, s28;
	s5 =	simm.s32 @!p0 $0x50;
	[sflag:s4] =	ssyncadd.s32 @!p1 $0xFFFFD800  }
0xfe: {  	[tilespmem:s1], [sflag:$0x3] =	stream.indirect.gather @!p0 [hbm4b:s7+s5], $0x80, s3, s5, $0xb8;
	[tilespmem:$0x18000] =	vst v63  }
0xff: {  	s15 =	sadd.s32 $0xFFFFFFFC, s29;
	p5 =	seq.s32 s25, $0x1  }
0x100: {  	p3 =	sge.u32 @!p4 s15, s20;
	s4 =	simm.s32 @!p5 $0xC  }
0x101: {  	p1 =	por p3, p4;
	_ =	swait.ge @!p5 [sflag:s4], $0x2800  }
0x102: {  	s1 =	simm.s32 @!p1 $0xB800;
	s3 =	rddreg [dreg:$0x8]  }
0x103: {  	s6 =	simm.s32 @!p1 $0x50;
	[sflag:s4] =	ssyncset.done @!p5 $0x0;
	s26 =	sld [smem:$0x7F6]  }
0x104: {  	p0 =	sge.u32 @!p4 s3, s20;
	s3 =	sadd.s32 @!p1 $0x180, s28;
	[sflag:s4] =	ssyncadd.s32 @!p5 $0xFFFFD800  }
0x105: {  	[tilespmem:s1], [sflag:$0x4] =	stream.indirect.gather @!p1 [hbm4b:s7+s6], $0x80, s3, s6, $0xb8;
	[tilespmem:$0x18000] =	vst v63  }
0x106: {  	p1 =	seq.s32 s26, $0x1  }
.Ltmp0:
0x107: {  	_ = 	snop;
	(pc) =	sbr.rel @p1 .LBB2_2-.Ltmp0, $3  }
0x108: {  	_ =	sdelay $0x1  }
0x109: {  	s31 =	sadd.s32 $0x400, s31;
	s0 =	sadd.s32 $0x1, s0;
	s2 =	sadd.s32 $0x2000, s2  }
0x10a: {  	s5 =	simm.s32 @!p2 $0xD;
	p0 =	por p0, p4;
	s7 =	rddreg [dreg:$0x7]  }
0x10b: {  	_ =	swait.ge @!p2 [sflag:s5], $0x2800  }
0x10c: {  	[sflag:s5] =	ssyncset.done @!p2 $0x0  }
0x10d: {  	s0 =	simm.s32 @!p0 $0xE000;
	s23 =	sld [smem:$0x7F7];
	[sflag:s5] =	ssyncadd.s32 @!p2 $0xFFFFD800  }
0x10e: {  	s1 =	sadd.s32 @!p0 $0x200, s28;
	s2 =	simm.s32 @!p0 $0x50;
	s4 =	rddreg [dreg:$0x0]  }
0x10f: {  	[tilespmem:s0], [sflag:$0x5] =	stream.indirect.gather @!p0 [hbm4b:s4+s2], $0x80, s1, s2, $0xb8;
	[tilespmem:$0x18000] =	vst v63  }
0x110: {  	s5 =	rddreg [dreg:$0x6];
	p1 =	seq.s32 s23, $0x1  }
0x111: {  	p0 =	sge.u32 @!p4 s7, s5;
	s0 =	simm.s32 @!p1 $0xE  }
0x112: {  	p0 =	por p0, p4;
	_ =	swait.ge @!p1 [sflag:s0], $0x2800  }
0x113: {  	s1 =	sadd.s32 @!p0 $0x280, s28;
	[sflag:s0] =	ssyncset.done @!p1 $0x0;
	s3 =	sld [smem:$0x7F8]  }
0x114: {  	s2 =	simm.s32 @!p0 $0x50;
	[sflag:s0] =	ssyncadd.s32 @!p1 $0xFFFFD800;
	s0 =	simm.s32 @!p0 $0x10800  }
0x115: {  	[tilespmem:s0], [sflag:$0x6] =	stream.indirect.gather @!p0 [hbm4b:s4+s2], $0x80, s1, s2, $0xb8;
	[tilespmem:$0x18000] =	vst v63  }
0x116: {  	p1 =	seq.s32 s3, $0x1  }
0x117: {  	p0 =	sge.u32 @!p4 s9, s5;
	s3 =	simm.s32 @!p1 $0xF  }
0x118: {  	p0 =	por p0, p4;
	_ =	swait.ge @!p1 [sflag:s3], $0x2800  }
0x119: {  	s0 =	simm.s32 @!p0 $0x13000;
	[sflag:s3] =	ssyncset.done @!p1 $0x0;
	s24 =	sld [smem:$0x7F9]  }
0x11a: {  	s1 =	sadd.s32 @!p0 $0x300, s28;
	s2 =	simm.s32 @!p0 $0x50;
	[sflag:s3] =	ssyncadd.s32 @!p1 $0xFFFFD800  }
0x11b: {  	[tilespmem:s0], [sflag:$0x7] =	stream.indirect.gather @!p0 [hbm4b:s4+s2], $0x80, s1, s2, $0xb8;
	[tilespmem:$0x18000] =	vst v63  }
0x11c: {  	p1 =	seq.s32 s24, $0x1  }
0x11d: {  	p0 =	sge.u32 @!p4 s29, s5;
	s3 =	simm.s32 @!p1 $0x10  }
0x11e: {  	p0 =	por p0, p4;
	_ =	swait.ge @!p1 [sflag:s3], $0x2800  }
0x11f: {  	s25 =	simm.s32 $0x11;
	s0 =	simm.s32 @!p0 $0x50;
	[sflag:s3] =	ssyncset.done @!p1 $0x0  }
0x120: {  	s1 =	simm.s32 @!p0 $0x15800;
	s2 =	sadd.s32 @!p0 $0x380, s28;
	[sflag:s3] =	ssyncadd.s32 @!p1 $0xFFFFD800  }
0x121: {  	[tilespmem:s1], [sflag:$0x8] =	stream.indirect.gather @!p0 [hbm4b:s4+s0], $0x80, s2, s0, $0xb8;
	[tilespmem:$0x18000] =	vst v63  }
0x122: {  	_ =	swait.ge [sflag:s25], $0x500  }
0x123: {  	s26 =	sld [smem:$0x7FB];
	_ =	sdelay $0x2  }
0x124: {  	[sflag:s25] =	ssyncset.done $0x0;
	p1 =	seq.s32 s26, $0x1  }
0x125: {  	[sflag:s25] =	ssyncadd.s32 $0xFFFFFB00;
	s0 =	simm.s32 @!p1 $0x11  }
0x126: {  	_ =	swait.ge @!p1 [sflag:s0], $0x500  }
0x127: {  	s28 =	sld [smem:$0x7FC];
	_ =	sdelay $0x2  }
0x128: {  	[sflag:s0] =	ssyncset.done @!p1 $0x0;
	p2 =	seq.s32 s28, $0x1  }
0x129: {  	[sflag:s0] =	ssyncadd.s32 @!p1 $0xFFFFFB00;
	s0 =	simm.s32 @!p2 $0x11  }
0x12a: {  	_ =	swait.ge @!p2 [sflag:s0], $0x500  }
0x12b: {  	s29 =	sld [smem:$0x7FD];
	_ =	sdelay $0x2  }
0x12c: {  	[sflag:s0] =	ssyncset.done @!p2 $0x0;
	p3 =	seq.s32 s29, $0x1  }
0x12d: {  	[sflag:s0] =	ssyncadd.s32 @!p2 $0xFFFFFB00;
	s0 =	simm.s32 @!p3 $0x11  }
0x12e: {  	_ =	swait.ge @!p3 [sflag:s0], $0x500  }
0x12f: {  	s30 =	rddreg [dreg:$0x17]  }
0x130: {  	s31 =	rddreg [dreg:$0x15];
	s2 =	sadd.s32 $0x1, s30  }
0x131: {  	p0 =	sne.s32 s2, s31  }
.Ltmp1:
0x132: {  	_ = 	snop;
	(pc) =	sbr.rel @p0 .LBB2_1-.Ltmp1, $3  }
0x133: {  	_ =	sdelay $0x1  }
0x134: {  	[sflag:s0] =	ssyncset.done @!p3 $0x0  }
0x135: {  	[sflag:s0] =	ssyncadd.s32 @!p3 $0xFFFFFB00  }
0x136: {  	_ =	sfence.sel $0x180000  }
0x137: {  	[bflag:$0x0] =	sbarrier.arrive $0xFFFF  }
0x138: {  	_ =	strace $0x90000047  }
0x139: {  	s0 =	stileid.u32;
	[bflag:$0x2] =	sbarrier.arrive $0xFFFF  }
0x13a: {  	p0 =	sne.s32 s0, $0x0;
	s0 =	rddreg [dreg:$0x4]  }
0x13b: {  	s0 =	sadd.s32 @!p0 $0x100000, s0  }
0x13c: {  	[sflag:s0] =	ssyncadd.tile.s32 @!p0 $0x1;
	_ =	shalt  }
.Lfunc_end2:
_tile_overlayer_lowered:
.L_overlay_start_2:
0x13d: {  	(tag) =	ssettag $0x2  }
0x13e: {  	s0 =	rddreg [dreg:$0x0];
	s2 =	stileid.u32  }
0x13f: {  	s1 =	rddreg [dreg:$0x1];
	p0 =	sne.s32 s2, $0x0  }
0x140: {  	s3 =	rddreg [dreg:$0x2];
	[bflag:$0x3] =	sbarrier.arrive $0xFFFF;
	s2 =	simm.s32 @!p0 $0x1C12  }
0x141: {  	[timem:s3], [sflag:s2] =	dma.local @!p0 [hbm:s0], s1  }
0x142: {  	s0 =	simm.s32 @!p0 $0x12  }
0x143: {  	_ =	swait.ge @!p0 [sflag:s0], s1  }
0x144: {  	s1 =	ssub.s32 @!p0 $0x0, s1;
	[sflag:s0] =	ssyncset.done @!p0 $0x0  }
0x145: {  	[sflag:s0] =	ssyncadd.s32 @!p0 s1  }
0x146: {  	[bflag:$0x3] =	sbarrier.arrive $0xFFFF  }
0x147: {  	_ =	shalt  }

</sc_bundles>
